<compile_context>
chip_gen: v7x
topology: tpu7x:2x2x1
jax: 0.10.2.dev20260603
libtpu: 0.0.44.dev20260713+nightly
codegen_flags: <defaults>
</compile_context>

<pallas_src>
import functools

import jax
import jax.numpy as jnp
from jax import lax
from jax.experimental import pallas as pl
from jax.experimental.pallas import tpu as pltpu
from jax.experimental.pallas import tpu_sc as plsc

D = 64
WD = 128
L = 16


def _make_transpose_widen(v: int):
    tblk = 16000

    def body(wt_ref, out_ref):
        x = wt_ref[...]
        xt = x.T
        out_ref[:, 0:D] = xt
        out_ref[:, D:WD] = jnp.zeros((tblk, WD - D), jnp.float32)

    return pl.pallas_call(
        body,
        grid=((v + tblk - 1) // tblk,),
        in_specs=[pl.BlockSpec((D, tblk), lambda i: (0, i))],
        out_specs=pl.BlockSpec((tblk, WD), lambda i: (i, 0)),
        out_shape=jax.ShapeDtypeStruct((v, WD), jnp.float32),
    )


def _make_lookup(b: int, s: int, v: int):
    info = plsc.get_sparse_core_info()
    nc, ns = info.num_cores, info.num_subcores
    nw = nc * ns
    assert b % nw == 0
    rows_per_w = b // nw

    mesh = plsc.VectorSubcoreMesh(core_axis_name="c", subcore_axis_name="s")

    nb = 4
    assert rows_per_w % nb == 0
    nrounds = rows_per_w // nb

    @functools.partial(
        pl.kernel,
        mesh=mesh,
        out_type=jax.ShapeDtypeStruct((b, s, D), jnp.float32),
        scratch_types=[
            pltpu.VMEM((rows_per_w, s), jnp.int32),
            pltpu.VMEM((nb, s, WD), jnp.float32),
            pltpu.VMEM((nb, s, D), jnp.float32),
            pltpu.SemaphoreType.DMA((nb,)),
            pltpu.SemaphoreType.DMA((nb,)),
        ],
    )
    def lookup(tok_hbm, wide_hbm, out_hbm, idx_v, rows_v, pack_v, gsem, ssem):
        wid = lax.axis_index("s") * nc + lax.axis_index("c")
        base_row = wid * rows_per_w
        pltpu.sync_copy(tok_hbm.at[pl.ds(base_row, rows_per_w)], idx_v)

        def gather(r, bf):
            return pltpu.async_copy(wide_hbm.at[idx_v.at[r]], rows_v.at[bf],
                                    gsem.at[bf])

        def scatter(r, bf):
            return pltpu.async_copy(pack_v.at[bf], out_hbm.at[base_row + r],
                                    ssem.at[bf])

        def wait_gather(r, bf):
            pltpu.make_async_copy(wide_hbm.at[idx_v.at[r]], rows_v.at[bf],
                                  gsem.at[bf]).wait()

        def wait_scatter(r, bf):
            pltpu.make_async_copy(pack_v.at[bf], out_hbm.at[base_row + r],
                                  ssem.at[bf]).wait()

        def pack(bf):
            def row_pair(i, carry):
                for ii in range(2):
                    for c in range(D // L):
                        pack_v[bf, i * 2 + ii, pl.ds(c * L, L)] = (
                            rows_v[bf, i * 2 + ii, pl.ds(c * L, L)])
                return carry

            lax.fori_loop(0, s // 2, row_pair, 0)
            if s % 2:
                for c in range(D // L):
                    pack_v[bf, s - 1, pl.ds(c * L, L)] = (
                        rows_v[bf, s - 1, pl.ds(c * L, L)])

        for bf in range(nb):
            gather(bf, bf)

        def round_fn(g, carry):
            r0 = g * nb
            for bf in range(nb):
                wait_gather(r0 + bf, bf)

                @pl.when(g > 0)
                def _():
                    wait_scatter(r0 - nb + bf, bf)

                pack(bf)
                scatter(r0 + bf, bf)

                @pl.when(g + 1 < nrounds)
                def _():
                    gather(r0 + nb + bf, bf)
            return carry

        lax.fori_loop(0, nrounds, round_fn, 0)

        for bf in range(nb):
            wait_scatter((nrounds - 1) * nb + bf, bf)

    return lookup


def kernel(token_ids, weight):
    b, s = token_ids.shape
    v, d = weight.shape
    assert d == D
    wide = _make_transpose_widen(v)(weight.T)
    return _make_lookup(b, s, v)(token_ids, wide)

# --- scband reference (transcript-rebuilt; emitter-appended) ---
"""Pipeline reference for scband-embedding-3023656976477 (READ-ONLY COPY).

The authoritative reference and input builder live on the scoring server;
editing this copy changes nothing except your own understanding.
"""

import jax, jax.numpy as jnp
import numpy as np

NUM_EMBEDDINGS = 1000000
EMBEDDING_DIM = 64

def setup_inputs(seed: int = 0) -> dict:
    key = jax.random.key(seed)
    k_idx, k_w = jax.random.split(key)
    token_ids = jax.random.randint(k_idx, (16384, 50), 0, NUM_EMBEDDINGS, dtype=jnp.int64 if jax.config.jax_enable_x64 else jnp.int32)
    # trunc_normal_(std=1, a=-3, b=3)
    weight = jax.random.truncated_normal(k_w, -3.0, 3.0, (NUM_EMBEDDINGS, EMBEDDING_DIM), dtype=jnp.float32)
    return {"token_ids": token_ids, "weight": weight}

def reference(token_ids, weight):
    # embeddings = self.weight[token_ids]
    embeddings = jnp.take(weight, token_ids, axis=0)
    return embeddings

if __name__ == "__main__":
    import jax
    _d = setup_inputs()
    print(jax.jit(kernel)(*tuple(_d.values())))

</pallas_src>

<mosaic_0001>
#map = affine_map<(d0, d1) -> (0, 0)>
#map1 = affine_map<(d0, d1) -> (0, 0, 0)>
module attributes {stable_mosaic.version = 14 : i64} {
  func.func @lookup(%arg0: i32, %arg1: i32, %arg2: memref<16384x50xi32, #tpu.memory_space<hbm>>, %arg3: memref<1000000x128xf32, #tpu.memory_space<hbm>>, %arg4: memref<16384x50x64xf32, #tpu.memory_space<hbm>>, %arg5: memref<512x50xi32, #tpu.memory_space<vmem>>, %arg6: memref<4x50x128xf32, #tpu.memory_space<vmem>>, %arg7: memref<4x50x64xf32, #tpu.memory_space<vmem>>, %arg8: memref<4x!tpu.dma_semaphore, #tpu.memory_space<semaphore_mem>>, %arg9: memref<4x!tpu.dma_semaphore, #tpu.memory_space<semaphore_mem>>) attributes {dimension_semantics = [#tpu.dimension_semantics<core_parallel>, #tpu.dimension_semantics<subcore_parallel>], iteration_bounds = array<i64: 2, 16>, scalar_prefetch = 0 : i64, scratch_operands = 5 : i64, tpu.core_type = #tpu.core_type<sc_vector_subcore>, window_params = [{transform_indices = #map}, {transform_indices = #map}, {transform_indices = #map1}]} {
    %mul3A = arith.constant 2 : i32
    %mul3A_0 = arith.muli %arg1, %mul3A : i32
    %add3A = arith.addi %mul3A_0, %arg0 : i32
    %mul3A_1 = arith.constant 512 : i32
    %mul3A_2 = arith.muli %add3A, %mul3A_1 : i32
    "tpu.region"() ({
      %run_scoped3A = tpu.sem_alloc : memref<!tpu.dma_semaphore, #tpu.memory_space<semaphore_mem>>
      %dma_start3A_154 = arith.constant 0 : i32
      %dma_start3A_155 = tpu.memref_slice %arg2[%mul3A_2, %dma_start3A_154] : memref<16384x50xi32, #tpu.memory_space<hbm>> -> memref<512x50xi32, #tpu.memory_space<hbm>>
      %dma_start3A_156 = arith.constant 0 : i32
      %dma_start3A_157 = tpu.memref_slice %arg2[%mul3A_2, %dma_start3A_156] : memref<16384x50xi32, #tpu.memory_space<hbm>> -> memref<512x50xi32, #tpu.memory_space<hbm>>
      tpu.enqueue_dma source(%dma_start3A_157 : memref<512x50xi32, #tpu.memory_space<hbm>>) target(%arg5 : memref<512x50xi32, #tpu.memory_space<vmem>>) target_semaphore(%run_scoped3A : memref<!tpu.dma_semaphore, #tpu.memory_space<semaphore_mem>>)
      %dma_wait3A_158 = arith.constant 0 : i32
      %dma_wait3A_159 = tpu.memref_slice %arg2[%mul3A_2, %dma_wait3A_158] : memref<16384x50xi32, #tpu.memory_space<hbm>> -> memref<512x50xi32, #tpu.memory_space<hbm>>
      %dma_wait3A_160 = arith.constant 0 : i32
      %dma_wait3A_161 = tpu.memref_slice %arg2[%mul3A_2, %dma_wait3A_160] : memref<16384x50xi32, #tpu.memory_space<hbm>> -> memref<512x50xi32, #tpu.memory_space<hbm>>
      tpu.wait_dma2 semaphore(%run_scoped3A : memref<!tpu.dma_semaphore, #tpu.memory_space<semaphore_mem>>) src(%dma_wait3A_161 : memref<512x50xi32, #tpu.memory_space<hbm>>) dst(%arg5 : memref<512x50xi32, #tpu.memory_space<vmem>>)
      tpu.yield
    }) : () -> ()
    %dma_start3A = arith.constant 0 : i32
    %dma_start3A_3 = arith.constant 0 : i32
    %dma_start3A_4 = arith.constant 0 : i32
    %dma_start3A_5 = arith.constant 0 : i32
    %dma_start3A_6 = arith.constant 0 : i32
    %dma_start3A_7 = tpu.memref_slice %arg6[%dma_start3A_3, %dma_start3A_5, %dma_start3A_6] : memref<4x50x128xf32, #tpu.memory_space<vmem>> -> memref<1x50x128xf32, #tpu.memory_space<vmem>>
    %dma_start3A_8 = tpu.memref_squeeze %dma_start3A_7 : memref<1x50x128xf32, #tpu.memory_space<vmem>> -> memref<50x128xf32, #tpu.memory_space<vmem>>
    %dma_start3A_9 = arith.constant 0 : i32
    %dma_start3A_10 = tpu.memref_slice %arg5[%dma_start3A, %dma_start3A_9] : memref<512x50xi32, #tpu.memory_space<vmem>> -> memref<1x50xi32, #tpu.memory_space<vmem>>
    %dma_start3A_11 = tpu.memref_squeeze %dma_start3A_10 : memref<1x50xi32, #tpu.memory_space<vmem>> -> memref<50xi32, #tpu.memory_space<vmem>>
    %dma_start3A_12 = arith.constant 0 : i32
    %dma_start3A_13 = arith.constant 0 : i32
    %dma_start3A_14 = tpu.memref_slice %arg3[%dma_start3A_12, %dma_start3A_13] : memref<1000000x128xf32, #tpu.memory_space<hbm>> -> memref<1000000x128xf32, #tpu.memory_space<hbm>>
    %dma_start3A_15 = tpu.memref_slice %arg8[%dma_start3A_4] : memref<4x!tpu.dma_semaphore, #tpu.memory_space<semaphore_mem>> -> memref<1x!tpu.dma_semaphore, #tpu.memory_space<semaphore_mem>>
    %dma_start3A_16 = tpu.memref_squeeze %dma_start3A_15 : memref<1x!tpu.dma_semaphore, #tpu.memory_space<semaphore_mem>> -> memref<!tpu.dma_semaphore, #tpu.memory_space<semaphore_mem>>
    tpu.enqueue_indirect_dma source(%dma_start3A_14 : memref<1000000x128xf32, #tpu.memory_space<hbm>>) target(%dma_start3A_8 : memref<50x128xf32, #tpu.memory_space<vmem>>) offsets(%dma_start3A_11 : memref<50xi32, #tpu.memory_space<vmem>>) semaphore(%dma_start3A_16 : memref<!tpu.dma_semaphore, #tpu.memory_space<semaphore_mem>>)
    %dma_start3A_17 = arith.constant 1 : i32
    %dma_start3A_18 = arith.constant 1 : i32
    %dma_start3A_19 = arith.constant 1 : i32
    %dma_start3A_20 = arith.constant 0 : i32
    %dma_start3A_21 = arith.constant 0 : i32
    %dma_start3A_22 = tpu.memref_slice %arg6[%dma_start3A_18, %dma_start3A_20, %dma_start3A_21] : memref<4x50x128xf32, #tpu.memory_space<vmem>> -> memref<1x50x128xf32, #tpu.memory_space<vmem>>
    %dma_start3A_23 = tpu.memref_squeeze %dma_start3A_22 : memref<1x50x128xf32, #tpu.memory_space<vmem>> -> memref<50x128xf32, #tpu.memory_space<vmem>>
    %dma_start3A_24 = arith.constant 0 : i32
    %dma_start3A_25 = tpu.memref_slice %arg5[%dma_start3A_17, %dma_start3A_24] : memref<512x50xi32, #tpu.memory_space<vmem>> -> memref<1x50xi32, #tpu.memory_space<vmem>>
    %dma_start3A_26 = tpu.memref_squeeze %dma_start3A_25 : memref<1x50xi32, #tpu.memory_space<vmem>> -> memref<50xi32, #tpu.memory_space<vmem>>
    %dma_start3A_27 = arith.constant 0 : i32
    %dma_start3A_28 = arith.constant 0 : i32
    %dma_start3A_29 = tpu.memref_slice %arg3[%dma_start3A_27, %dma_start3A_28] : memref<1000000x128xf32, #tpu.memory_space<hbm>> -> memref<1000000x128xf32, #tpu.memory_space<hbm>>
    %dma_start3A_30 = tpu.memref_slice %arg8[%dma_start3A_19] : memref<4x!tpu.dma_semaphore, #tpu.memory_space<semaphore_mem>> -> memref<1x!tpu.dma_semaphore, #tpu.memory_space<semaphore_mem>>
    %dma_start3A_31 = tpu.memref_squeeze %dma_start3A_30 : memref<1x!tpu.dma_semaphore, #tpu.memory_space<semaphore_mem>> -> memref<!tpu.dma_semaphore, #tpu.memory_space<semaphore_mem>>
    tpu.enqueue_indirect_dma source(%dma_start3A_29 : memref<1000000x128xf32, #tpu.memory_space<hbm>>) target(%dma_start3A_23 : memref<50x128xf32, #tpu.memory_space<vmem>>) offsets(%dma_start3A_26 : memref<50xi32, #tpu.memory_space<vmem>>) semaphore(%dma_start3A_31 : memref<!tpu.dma_semaphore, #tpu.memory_space<semaphore_mem>>)
    %dma_start3A_32 = arith.constant 2 : i32
    %dma_start3A_33 = arith.constant 2 : i32
    %dma_start3A_34 = arith.constant 2 : i32
    %dma_start3A_35 = arith.constant 0 : i32
    %dma_start3A_36 = arith.constant 0 : i32
    %dma_start3A_37 = tpu.memref_slice %arg6[%dma_start3A_33, %dma_start3A_35, %dma_start3A_36] : memref<4x50x128xf32, #tpu.memory_space<vmem>> -> memref<1x50x128xf32, #tpu.memory_space<vmem>>
    %dma_start3A_38 = tpu.memref_squeeze %dma_start3A_37 : memref<1x50x128xf32, #tpu.memory_space<vmem>> -> memref<50x128xf32, #tpu.memory_space<vmem>>
    %dma_start3A_39 = arith.constant 0 : i32
    %dma_start3A_40 = tpu.memref_slice %arg5[%dma_start3A_32, %dma_start3A_39] : memref<512x50xi32, #tpu.memory_space<vmem>> -> memref<1x50xi32, #tpu.memory_space<vmem>>
    %dma_start3A_41 = tpu.memref_squeeze %dma_start3A_40 : memref<1x50xi32, #tpu.memory_space<vmem>> -> memref<50xi32, #tpu.memory_space<vmem>>
    %dma_start3A_42 = arith.constant 0 : i32
    %dma_start3A_43 = arith.constant 0 : i32
    %dma_start3A_44 = tpu.memref_slice %arg3[%dma_start3A_42, %dma_start3A_43] : memref<1000000x128xf32, #tpu.memory_space<hbm>> -> memref<1000000x128xf32, #tpu.memory_space<hbm>>
    %dma_start3A_45 = tpu.memref_slice %arg8[%dma_start3A_34] : memref<4x!tpu.dma_semaphore, #tpu.memory_space<semaphore_mem>> -> memref<1x!tpu.dma_semaphore, #tpu.memory_space<semaphore_mem>>
    %dma_start3A_46 = tpu.memref_squeeze %dma_start3A_45 : memref<1x!tpu.dma_semaphore, #tpu.memory_space<semaphore_mem>> -> memref<!tpu.dma_semaphore, #tpu.memory_space<semaphore_mem>>
    tpu.enqueue_indirect_dma source(%dma_start3A_44 : memref<1000000x128xf32, #tpu.memory_space<hbm>>) target(%dma_start3A_38 : memref<50x128xf32, #tpu.memory_space<vmem>>) offsets(%dma_start3A_41 : memref<50xi32, #tpu.memory_space<vmem>>) semaphore(%dma_start3A_46 : memref<!tpu.dma_semaphore, #tpu.memory_space<semaphore_mem>>)
    %dma_start3A_47 = arith.constant 3 : i32
    %dma_start3A_48 = arith.constant 3 : i32
    %dma_start3A_49 = arith.constant 3 : i32
    %dma_start3A_50 = arith.constant 0 : i32
    %dma_start3A_51 = arith.constant 0 : i32
    %dma_start3A_52 = tpu.memref_slice %arg6[%dma_start3A_48, %dma_start3A_50, %dma_start3A_51] : memref<4x50x128xf32, #tpu.memory_space<vmem>> -> memref<1x50x128xf32, #tpu.memory_space<vmem>>
    %dma_start3A_53 = tpu.memref_squeeze %dma_start3A_52 : memref<1x50x128xf32, #tpu.memory_space<vmem>> -> memref<50x128xf32, #tpu.memory_space<vmem>>
    %dma_start3A_54 = arith.constant 0 : i32
    %dma_start3A_55 = tpu.memref_slice %arg5[%dma_start3A_47, %dma_start3A_54] : memref<512x50xi32, #tpu.memory_space<vmem>> -> memref<1x50xi32, #tpu.memory_space<vmem>>
    %dma_start3A_56 = tpu.memref_squeeze %dma_start3A_55 : memref<1x50xi32, #tpu.memory_space<vmem>> -> memref<50xi32, #tpu.memory_space<vmem>>
    %dma_start3A_57 = arith.constant 0 : i32
    %dma_start3A_58 = arith.constant 0 : i32
    %dma_start3A_59 = tpu.memref_slice %arg3[%dma_start3A_57, %dma_start3A_58] : memref<1000000x128xf32, #tpu.memory_space<hbm>> -> memref<1000000x128xf32, #tpu.memory_space<hbm>>
    %dma_start3A_60 = tpu.memref_slice %arg8[%dma_start3A_49] : memref<4x!tpu.dma_semaphore, #tpu.memory_space<semaphore_mem>> -> memref<1x!tpu.dma_semaphore, #tpu.memory_space<semaphore_mem>>
    %dma_start3A_61 = tpu.memref_squeeze %dma_start3A_60 : memref<1x!tpu.dma_semaphore, #tpu.memory_space<semaphore_mem>> -> memref<!tpu.dma_semaphore, #tpu.memory_space<semaphore_mem>>
    tpu.enqueue_indirect_dma source(%dma_start3A_59 : memref<1000000x128xf32, #tpu.memory_space<hbm>>) target(%dma_start3A_53 : memref<50x128xf32, #tpu.memory_space<vmem>>) offsets(%dma_start3A_56 : memref<50xi32, #tpu.memory_space<vmem>>) semaphore(%dma_start3A_61 : memref<!tpu.dma_semaphore, #tpu.memory_space<semaphore_mem>>)
    %scan3A = arith.constant 0 : i32
    %scan3A_62 = arith.constant 0 : i32
    %scan3A_63 = arith.constant 128 : i32
    %scan3A_64 = arith.addi %scan3A_62, %scan3A_63 : i32
    %scan3A_65 = arith.constant 1 : i32
    scf.for %scan3A_154 = %scan3A_62 to %scan3A_64 step %scan3A_65  : i32 {
      %mul3A_155 = arith.constant 4 : i32
      %mul3A_156 = arith.muli %scan3A_154, %mul3A_155 : i32
      %add3A_157 = arith.constant 0 : i32
      %add3A_158 = arith.addi %mul3A_156, %add3A_157 : i32
      %dma_wait3A_159 = arith.constant 0 : i32
      %dma_wait3A_160 = arith.constant 0 : i32
      %dma_wait3A_161 = arith.constant 0 : i32
      %dma_wait3A_162 = arith.constant 0 : i32
      %dma_wait3A_163 = tpu.memref_slice %arg6[%dma_wait3A_159, %dma_wait3A_161, %dma_wait3A_162] : memref<4x50x128xf32, #tpu.memory_space<vmem>> -> memref<1x50x128xf32, #tpu.memory_space<vmem>>
      %dma_wait3A_164 = tpu.memref_squeeze %dma_wait3A_163 : memref<1x50x128xf32, #tpu.memory_space<vmem>> -> memref<50x128xf32, #tpu.memory_space<vmem>>
      %dma_wait3A_165 = arith.constant 0 : i32
      %dma_wait3A_166 = tpu.memref_slice %arg5[%add3A_158, %dma_wait3A_165] : memref<512x50xi32, #tpu.memory_space<vmem>> -> memref<1x50xi32, #tpu.memory_space<vmem>>
      %dma_wait3A_167 = tpu.memref_squeeze %dma_wait3A_166 : memref<1x50xi32, #tpu.memory_space<vmem>> -> memref<50xi32, #tpu.memory_space<vmem>>
      %dma_wait3A_168 = arith.constant 0 : i32
      %dma_wait3A_169 = arith.constant 0 : i32
      %dma_wait3A_170 = tpu.memref_slice %arg3[%dma_wait3A_168, %dma_wait3A_169] : memref<1000000x128xf32, #tpu.memory_space<hbm>> -> memref<1000000x128xf32, #tpu.memory_space<hbm>>
      %dma_wait3A_171 = tpu.memref_slice %arg8[%dma_wait3A_160] : memref<4x!tpu.dma_semaphore, #tpu.memory_space<semaphore_mem>> -> memref<1x!tpu.dma_semaphore, #tpu.memory_space<semaphore_mem>>
      %dma_wait3A_172 = tpu.memref_squeeze %dma_wait3A_171 : memref<1x!tpu.dma_semaphore, #tpu.memory_space<semaphore_mem>> -> memref<!tpu.dma_semaphore, #tpu.memory_space<semaphore_mem>>
      tpu.wait_indirect_dma semaphore(%dma_wait3A_172 : memref<!tpu.dma_semaphore, #tpu.memory_space<semaphore_mem>>) src(%dma_wait3A_170 : memref<1000000x128xf32, #tpu.memory_space<hbm>>) dst(%dma_wait3A_164 : memref<50x128xf32, #tpu.memory_space<vmem>>)
      %gt3A = arith.constant 0 : i32
      %gt3A_173 = arith.cmpi sgt, %scan3A_154, %gt3A : i32
      %convert_element_type3A = arith.extui %gt3A_173 : i1 to i32
      %cond3A = arith.constant 0 : i32
      %cond3A_174 = arith.cmpi ne, %convert_element_type3A, %cond3A : i32
      scf.if %cond3A_174 {
        %sub3A = arith.constant 4 : i32
        %sub3A_381 = arith.subi %mul3A_156, %sub3A : i32
        %add3A_382 = arith.constant 0 : i32
        %add3A_383 = arith.addi %sub3A_381, %add3A_382 : i32
        %add3A_384 = arith.addi %mul3A_2, %add3A_383 : i32
        %dma_wait3A_385 = arith.constant 0 : i32
        %dma_wait3A_386 = arith.constant 0 : i32
        %dma_wait3A_387 = arith.constant 0 : i32
        %dma_wait3A_388 = arith.constant 0 : i32
        %dma_wait3A_389 = tpu.memref_slice %arg7[%dma_wait3A_385, %dma_wait3A_387, %dma_wait3A_388] : memref<4x50x64xf32, #tpu.memory_space<vmem>> -> memref<1x50x64xf32, #tpu.memory_space<vmem>>
        %dma_wait3A_390 = tpu.memref_squeeze %dma_wait3A_389 : memref<1x50x64xf32, #tpu.memory_space<vmem>> -> memref<50x64xf32, #tpu.memory_space<vmem>>
        %dma_wait3A_391 = arith.constant 0 : i32
        %dma_wait3A_392 = arith.constant 0 : i32
        %dma_wait3A_393 = tpu.memref_slice %arg4[%add3A_384, %dma_wait3A_391, %dma_wait3A_392] : memref<16384x50x64xf32, #tpu.memory_space<hbm>> -> memref<1x50x64xf32, #tpu.memory_space<hbm>>
        %dma_wait3A_394 = tpu.memref_squeeze %dma_wait3A_393 : memref<1x50x64xf32, #tpu.memory_space<hbm>> -> memref<50x64xf32, #tpu.memory_space<hbm>>
        %dma_wait3A_395 = tpu.memref_slice %arg9[%dma_wait3A_386] : memref<4x!tpu.dma_semaphore, #tpu.memory_space<semaphore_mem>> -> memref<1x!tpu.dma_semaphore, #tpu.memory_space<semaphore_mem>>
        %dma_wait3A_396 = tpu.memref_squeeze %dma_wait3A_395 : memref<1x!tpu.dma_semaphore, #tpu.memory_space<semaphore_mem>> -> memref<!tpu.dma_semaphore, #tpu.memory_space<semaphore_mem>>
        %dma_wait3A_397 = arith.constant 0 : i32
        %dma_wait3A_398 = arith.constant 0 : i32
        %dma_wait3A_399 = tpu.memref_slice %arg4[%add3A_384, %dma_wait3A_397, %dma_wait3A_398] : memref<16384x50x64xf32, #tpu.memory_space<hbm>> -> memref<1x50x64xf32, #tpu.memory_space<hbm>>
        %dma_wait3A_400 = tpu.memref_squeeze %dma_wait3A_399 : memref<1x50x64xf32, #tpu.memory_space<hbm>> -> memref<50x64xf32, #tpu.memory_space<hbm>>
        %dma_wait3A_401 = arith.constant 0 : i32
        %dma_wait3A_402 = arith.constant 0 : i32
        %dma_wait3A_403 = tpu.memref_slice %arg7[%dma_wait3A_385, %dma_wait3A_401, %dma_wait3A_402] : memref<4x50x64xf32, #tpu.memory_space<vmem>> -> memref<1x50x64xf32, #tpu.memory_space<vmem>>
        %dma_wait3A_404 = tpu.memref_squeeze %dma_wait3A_403 : memref<1x50x64xf32, #tpu.memory_space<vmem>> -> memref<50x64xf32, #tpu.memory_space<vmem>>
        tpu.wait_dma2 semaphore(%dma_wait3A_396 : memref<!tpu.dma_semaphore, #tpu.memory_space<semaphore_mem>>) src(%dma_wait3A_404 : memref<50x64xf32, #tpu.memory_space<vmem>>) dst(%dma_wait3A_400 : memref<50x64xf32, #tpu.memory_space<hbm>>)
      } else {
      }
      %scan3A_175 = arith.constant 0 : i32
      %scan3A_176 = arith.constant 0 : i32
      %scan3A_177 = arith.constant 25 : i32
      %scan3A_178 = arith.addi %scan3A_176, %scan3A_177 : i32
      %scan3A_179 = arith.constant 1 : i32
      scf.for %scan3A_381 = %scan3A_176 to %scan3A_178 step %scan3A_179  : i32 {
        %mul3A_382 = arith.constant 2 : i32
        %mul3A_383 = arith.muli %scan3A_381, %mul3A_382 : i32
        %add3A_384 = arith.constant 0 : i32
        %add3A_385 = arith.addi %mul3A_383, %add3A_384 : i32
        %get3A = arith.constant 0 : i32
        %get3A_386 = arith.index_cast %get3A : i32 to index
        %get3A_387 = arith.index_cast %add3A_385 : i32 to index
        %get3A_388 = arith.constant 0 : index
        %get3A_389 = tpu.vector_load %arg6[%get3A_386, %get3A_387, %get3A_388] {strides = array<i32>} : memref<4x50x128xf32, #tpu.memory_space<vmem>>, vector<1x1x16xf32>,
        %get3A_390 = vector.shape_cast %get3A_389 : vector<1x1x16xf32> to vector<16xf32>
        %mul3A_391 = arith.constant 2 : i32
        %mul3A_392 = arith.muli %scan3A_381, %mul3A_391 : i32
        %add3A_393 = arith.constant 0 : i32
        %add3A_394 = arith.addi %mul3A_392, %add3A_393 : i32
        %swap3A = arith.constant 0 : i32
        %swap3A_395 = arith.index_cast %swap3A : i32 to index
        %swap3A_396 = arith.index_cast %add3A_394 : i32 to index
        %swap3A_397 = arith.constant 0 : index
        %swap3A_398 = tpu.vector_load %arg7[%swap3A_395, %swap3A_396, %swap3A_397] {strides = array<i32>} : memref<4x50x64xf32, #tpu.memory_space<vmem>>, vector<1x1x16xf32>,
        %swap3A_399 = vector.shape_cast %swap3A_398 : vector<1x1x16xf32> to vector<16xf32>
        %swap3A_400 = vector.shape_cast %get3A_390 : vector<16xf32> to vector<1x1x16xf32>
        tpu.vector_store %arg7[%swap3A_395, %swap3A_396, %swap3A_397], %swap3A_400 {strides = array<i32>} : memref<4x50x64xf32, #tpu.memory_space<vmem>>, vector<1x1x16xf32>,
        %mul3A_401 = arith.constant 2 : i32
        %mul3A_402 = arith.muli %scan3A_381, %mul3A_401 : i32
        %add3A_403 = arith.constant 0 : i32
        %add3A_404 = arith.addi %mul3A_402, %add3A_403 : i32
        %get3A_405 = arith.constant 0 : i32
        %get3A_406 = arith.index_cast %get3A_405 : i32 to index
        %get3A_407 = arith.index_cast %add3A_404 : i32 to index
        %get3A_408 = arith.constant 16 : index
        %get3A_409 = tpu.vector_load %arg6[%get3A_406, %get3A_407, %get3A_408] {strides = array<i32>} : memref<4x50x128xf32, #tpu.memory_space<vmem>>, vector<1x1x16xf32>,
        %get3A_410 = vector.shape_cast %get3A_409 : vector<1x1x16xf32> to vector<16xf32>
        %mul3A_411 = arith.constant 2 : i32
        %mul3A_412 = arith.muli %scan3A_381, %mul3A_411 : i32
        %add3A_413 = arith.constant 0 : i32
        %add3A_414 = arith.addi %mul3A_412, %add3A_413 : i32
        %swap3A_415 = arith.constant 0 : i32
        %swap3A_416 = arith.index_cast %swap3A_415 : i32 to index
        %swap3A_417 = arith.index_cast %add3A_414 : i32 to index
        %swap3A_418 = arith.constant 16 : index
        %swap3A_419 = tpu.vector_load %arg7[%swap3A_416, %swap3A_417, %swap3A_418] {strides = array<i32>} : memref<4x50x64xf32, #tpu.memory_space<vmem>>, vector<1x1x16xf32>,
        %swap3A_420 = vector.shape_cast %swap3A_419 : vector<1x1x16xf32> to vector<16xf32>
        %swap3A_421 = vector.shape_cast %get3A_410 : vector<16xf32> to vector<1x1x16xf32>
        tpu.vector_store %arg7[%swap3A_416, %swap3A_417, %swap3A_418], %swap3A_421 {strides = array<i32>} : memref<4x50x64xf32, #tpu.memory_space<vmem>>, vector<1x1x16xf32>,
        %mul3A_422 = arith.constant 2 : i32
        %mul3A_423 = arith.muli %scan3A_381, %mul3A_422 : i32
        %add3A_424 = arith.constant 0 : i32
        %add3A_425 = arith.addi %mul3A_423, %add3A_424 : i32
        %get3A_426 = arith.constant 0 : i32
        %get3A_427 = arith.index_cast %get3A_426 : i32 to index
        %get3A_428 = arith.index_cast %add3A_425 : i32 to index
        %get3A_429 = arith.constant 32 : index
        %get3A_430 = tpu.vector_load %arg6[%get3A_427, %get3A_428, %get3A_429] {strides = array<i32>} : memref<4x50x128xf32, #tpu.memory_space<vmem>>, vector<1x1x16xf32>,
        %get3A_431 = vector.shape_cast %get3A_430 : vector<1x1x16xf32> to vector<16xf32>
        %mul3A_432 = arith.constant 2 : i32
        %mul3A_433 = arith.muli %scan3A_381, %mul3A_432 : i32
        %add3A_434 = arith.constant 0 : i32
        %add3A_435 = arith.addi %mul3A_433, %add3A_434 : i32
        %swap3A_436 = arith.constant 0 : i32
        %swap3A_437 = arith.index_cast %swap3A_436 : i32 to index
        %swap3A_438 = arith.index_cast %add3A_435 : i32 to index
        %swap3A_439 = arith.constant 32 : index
        %swap3A_440 = tpu.vector_load %arg7[%swap3A_437, %swap3A_438, %swap3A_439] {strides = array<i32>} : memref<4x50x64xf32, #tpu.memory_space<vmem>>, vector<1x1x16xf32>,
        %swap3A_441 = vector.shape_cast %swap3A_440 : vector<1x1x16xf32> to vector<16xf32>
        %swap3A_442 = vector.shape_cast %get3A_431 : vector<16xf32> to vector<1x1x16xf32>
        tpu.vector_store %arg7[%swap3A_437, %swap3A_438, %swap3A_439], %swap3A_442 {strides = array<i32>} : memref<4x50x64xf32, #tpu.memory_space<vmem>>, vector<1x1x16xf32>,
        %mul3A_443 = arith.constant 2 : i32
        %mul3A_444 = arith.muli %scan3A_381, %mul3A_443 : i32
        %add3A_445 = arith.constant 0 : i32
        %add3A_446 = arith.addi %mul3A_444, %add3A_445 : i32
        %get3A_447 = arith.constant 0 : i32
        %get3A_448 = arith.index_cast %get3A_447 : i32 to index
        %get3A_449 = arith.index_cast %add3A_446 : i32 to index
        %get3A_450 = arith.constant 48 : index
        %get3A_451 = tpu.vector_load %arg6[%get3A_448, %get3A_449, %get3A_450] {strides = array<i32>} : memref<4x50x128xf32, #tpu.memory_space<vmem>>, vector<1x1x16xf32>,
        %get3A_452 = vector.shape_cast %get3A_451 : vector<1x1x16xf32> to vector<16xf32>
        %mul3A_453 = arith.constant 2 : i32
        %mul3A_454 = arith.muli %scan3A_381, %mul3A_453 : i32
        %add3A_455 = arith.constant 0 : i32
        %add3A_456 = arith.addi %mul3A_454, %add3A_455 : i32
        %swap3A_457 = arith.constant 0 : i32
        %swap3A_458 = arith.index_cast %swap3A_457 : i32 to index
        %swap3A_459 = arith.index_cast %add3A_456 : i32 to index
        %swap3A_460 = arith.constant 48 : index
        %swap3A_461 = tpu.vector_load %arg7[%swap3A_458, %swap3A_459, %swap3A_460] {strides = array<i32>} : memref<4x50x64xf32, #tpu.memory_space<vmem>>, vector<1x1x16xf32>,
        %swap3A_462 = vector.shape_cast %swap3A_461 : vector<1x1x16xf32> to vector<16xf32>
        %swap3A_463 = vector.shape_cast %get3A_452 : vector<16xf32> to vector<1x1x16xf32>
        tpu.vector_store %arg7[%swap3A_458, %swap3A_459, %swap3A_460], %swap3A_463 {strides = array<i32>} : memref<4x50x64xf32, #tpu.memory_space<vmem>>, vector<1x1x16xf32>,
        %mul3A_464 = arith.constant 2 : i32
        %mul3A_465 = arith.muli %scan3A_381, %mul3A_464 : i32
        %add3A_466 = arith.constant 1 : i32
        %add3A_467 = arith.addi %mul3A_465, %add3A_466 : i32
        %get3A_468 = arith.constant 0 : i32
        %get3A_469 = arith.index_cast %get3A_468 : i32 to index
        %get3A_470 = arith.index_cast %add3A_467 : i32 to index
        %get3A_471 = arith.constant 0 : index
        %get3A_472 = tpu.vector_load %arg6[%get3A_469, %get3A_470, %get3A_471] {strides = array<i32>} : memref<4x50x128xf32, #tpu.memory_space<vmem>>, vector<1x1x16xf32>,
        %get3A_473 = vector.shape_cast %get3A_472 : vector<1x1x16xf32> to vector<16xf32>
        %mul3A_474 = arith.constant 2 : i32
        %mul3A_475 = arith.muli %scan3A_381, %mul3A_474 : i32
        %add3A_476 = arith.constant 1 : i32
        %add3A_477 = arith.addi %mul3A_475, %add3A_476 : i32
        %swap3A_478 = arith.constant 0 : i32
        %swap3A_479 = arith.index_cast %swap3A_478 : i32 to index
        %swap3A_480 = arith.index_cast %add3A_477 : i32 to index
        %swap3A_481 = arith.constant 0 : index
        %swap3A_482 = tpu.vector_load %arg7[%swap3A_479, %swap3A_480, %swap3A_481] {strides = array<i32>} : memref<4x50x64xf32, #tpu.memory_space<vmem>>, vector<1x1x16xf32>,
        %swap3A_483 = vector.shape_cast %swap3A_482 : vector<1x1x16xf32> to vector<16xf32>
        %swap3A_484 = vector.shape_cast %get3A_473 : vector<16xf32> to vector<1x1x16xf32>
        tpu.vector_store %arg7[%swap3A_479, %swap3A_480, %swap3A_481], %swap3A_484 {strides = array<i32>} : memref<4x50x64xf32, #tpu.memory_space<vmem>>, vector<1x1x16xf32>,
        %mul3A_485 = arith.constant 2 : i32
        %mul3A_486 = arith.muli %scan3A_381, %mul3A_485 : i32
        %add3A_487 = arith.constant 1 : i32
        %add3A_488 = arith.addi %mul3A_486, %add3A_487 : i32
        %get3A_489 = arith.constant 0 : i32
        %get3A_490 = arith.index_cast %get3A_489 : i32 to index
        %get3A_491 = arith.index_cast %add3A_488 : i32 to index
        %get3A_492 = arith.constant 16 : index
        %get3A_493 = tpu.vector_load %arg6[%get3A_490, %get3A_491, %get3A_492] {strides = array<i32>} : memref<4x50x128xf32, #tpu.memory_space<vmem>>, vector<1x1x16xf32>,
        %get3A_494 = vector.shape_cast %get3A_493 : vector<1x1x16xf32> to vector<16xf32>
        %mul3A_495 = arith.constant 2 : i32
        %mul3A_496 = arith.muli %scan3A_381, %mul3A_495 : i32
        %add3A_497 = arith.constant 1 : i32
        %add3A_498 = arith.addi %mul3A_496, %add3A_497 : i32
        %swap3A_499 = arith.constant 0 : i32
        %swap3A_500 = arith.index_cast %swap3A_499 : i32 to index
        %swap3A_501 = arith.index_cast %add3A_498 : i32 to index
        %swap3A_502 = arith.constant 16 : index
        %swap3A_503 = tpu.vector_load %arg7[%swap3A_500, %swap3A_501, %swap3A_502] {strides = array<i32>} : memref<4x50x64xf32, #tpu.memory_space<vmem>>, vector<1x1x16xf32>,
        %swap3A_504 = vector.shape_cast %swap3A_503 : vector<1x1x16xf32> to vector<16xf32>
        %swap3A_505 = vector.shape_cast %get3A_494 : vector<16xf32> to vector<1x1x16xf32>
        tpu.vector_store %arg7[%swap3A_500, %swap3A_501, %swap3A_502], %swap3A_505 {strides = array<i32>} : memref<4x50x64xf32, #tpu.memory_space<vmem>>, vector<1x1x16xf32>,
        %mul3A_506 = arith.constant 2 : i32
        %mul3A_507 = arith.muli %scan3A_381, %mul3A_506 : i32
        %add3A_508 = arith.constant 1 : i32
        %add3A_509 = arith.addi %mul3A_507, %add3A_508 : i32
        %get3A_510 = arith.constant 0 : i32
        %get3A_511 = arith.index_cast %get3A_510 : i32 to index
        %get3A_512 = arith.index_cast %add3A_509 : i32 to index
        %get3A_513 = arith.constant 32 : index
        %get3A_514 = tpu.vector_load %arg6[%get3A_511, %get3A_512, %get3A_513] {strides = array<i32>} : memref<4x50x128xf32, #tpu.memory_space<vmem>>, vector<1x1x16xf32>,
        %get3A_515 = vector.shape_cast %get3A_514 : vector<1x1x16xf32> to vector<16xf32>
        %mul3A_516 = arith.constant 2 : i32
        %mul3A_517 = arith.muli %scan3A_381, %mul3A_516 : i32
        %add3A_518 = arith.constant 1 : i32
        %add3A_519 = arith.addi %mul3A_517, %add3A_518 : i32
        %swap3A_520 = arith.constant 0 : i32
        %swap3A_521 = arith.index_cast %swap3A_520 : i32 to index
        %swap3A_522 = arith.index_cast %add3A_519 : i32 to index
        %swap3A_523 = arith.constant 32 : index
        %swap3A_524 = tpu.vector_load %arg7[%swap3A_521, %swap3A_522, %swap3A_523] {strides = array<i32>} : memref<4x50x64xf32, #tpu.memory_space<vmem>>, vector<1x1x16xf32>,
        %swap3A_525 = vector.shape_cast %swap3A_524 : vector<1x1x16xf32> to vector<16xf32>
        %swap3A_526 = vector.shape_cast %get3A_515 : vector<16xf32> to vector<1x1x16xf32>
        tpu.vector_store %arg7[%swap3A_521, %swap3A_522, %swap3A_523], %swap3A_526 {strides = array<i32>} : memref<4x50x64xf32, #tpu.memory_space<vmem>>, vector<1x1x16xf32>,
        %mul3A_527 = arith.constant 2 : i32
        %mul3A_528 = arith.muli %scan3A_381, %mul3A_527 : i32
        %add3A_529 = arith.constant 1 : i32
        %add3A_530 = arith.addi %mul3A_528, %add3A_529 : i32
        %get3A_531 = arith.constant 0 : i32
        %get3A_532 = arith.index_cast %get3A_531 : i32 to index
        %get3A_533 = arith.index_cast %add3A_530 : i32 to index
        %get3A_534 = arith.constant 48 : index
        %get3A_535 = tpu.vector_load %arg6[%get3A_532, %get3A_533, %get3A_534] {strides = array<i32>} : memref<4x50x128xf32, #tpu.memory_space<vmem>>, vector<1x1x16xf32>,
        %get3A_536 = vector.shape_cast %get3A_535 : vector<1x1x16xf32> to vector<16xf32>
        %mul3A_537 = arith.constant 2 : i32
        %mul3A_538 = arith.muli %scan3A_381, %mul3A_537 : i32
        %add3A_539 = arith.constant 1 : i32
        %add3A_540 = arith.addi %mul3A_538, %add3A_539 : i32
        %swap3A_541 = arith.constant 0 : i32
        %swap3A_542 = arith.index_cast %swap3A_541 : i32 to index
        %swap3A_543 = arith.index_cast %add3A_540 : i32 to index
        %swap3A_544 = arith.constant 48 : index
        %swap3A_545 = tpu.vector_load %arg7[%swap3A_542, %swap3A_543, %swap3A_544] {strides = array<i32>} : memref<4x50x64xf32, #tpu.memory_space<vmem>>, vector<1x1x16xf32>,
        %swap3A_546 = vector.shape_cast %swap3A_545 : vector<1x1x16xf32> to vector<16xf32>
        %swap3A_547 = vector.shape_cast %get3A_536 : vector<16xf32> to vector<1x1x16xf32>
        tpu.vector_store %arg7[%swap3A_542, %swap3A_543, %swap3A_544], %swap3A_547 {strides = array<i32>} : memref<4x50x64xf32, #tpu.memory_space<vmem>>, vector<1x1x16xf32>,
      }
      %scan3A_180 = arith.constant 25 : i32
      %add3A_181 = arith.constant 0 : i32
      %add3A_182 = arith.addi %mul3A_156, %add3A_181 : i32
      %add3A_183 = arith.addi %mul3A_2, %add3A_182 : i32
      %dma_start3A_184 = arith.constant 0 : i32
      %dma_start3A_185 = arith.constant 0 : i32
      %dma_start3A_186 = arith.constant 0 : i32
      %dma_start3A_187 = arith.constant 0 : i32
      %dma_start3A_188 = tpu.memref_slice %arg7[%dma_start3A_184, %dma_start3A_186, %dma_start3A_187] : memref<4x50x64xf32, #tpu.memory_space<vmem>> -> memref<1x50x64xf32, #tpu.memory_space<vmem>>
      %dma_start3A_189 = tpu.memref_squeeze %dma_start3A_188 : memref<1x50x64xf32, #tpu.memory_space<vmem>> -> memref<50x64xf32, #tpu.memory_space<vmem>>
      %dma_start3A_190 = arith.constant 0 : i32
      %dma_start3A_191 = arith.constant 0 : i32
      %dma_start3A_192 = tpu.memref_slice %arg4[%add3A_183, %dma_start3A_190, %dma_start3A_191] : memref<16384x50x64xf32, #tpu.memory_space<hbm>> -> memref<1x50x64xf32, #tpu.memory_space<hbm>>
      %dma_start3A_193 = tpu.memref_squeeze %dma_start3A_192 : memref<1x50x64xf32, #tpu.memory_space<hbm>> -> memref<50x64xf32, #tpu.memory_space<hbm>>
      %dma_start3A_194 = tpu.memref_slice %arg9[%dma_start3A_185] : memref<4x!tpu.dma_semaphore, #tpu.memory_space<semaphore_mem>> -> memref<1x!tpu.dma_semaphore, #tpu.memory_space<semaphore_mem>>
      %dma_start3A_195 = tpu.memref_squeeze %dma_start3A_194 : memref<1x!tpu.dma_semaphore, #tpu.memory_space<semaphore_mem>> -> memref<!tpu.dma_semaphore, #tpu.memory_space<semaphore_mem>>
      %dma_start3A_196 = arith.constant 0 : i32
      %dma_start3A_197 = arith.constant 0 : i32
      %dma_start3A_198 = tpu.memref_slice %arg4[%add3A_183, %dma_start3A_196, %dma_start3A_197] : memref<16384x50x64xf32, #tpu.memory_space<hbm>> -> memref<1x50x64xf32, #tpu.memory_space<hbm>>
      %dma_start3A_199 = tpu.memref_squeeze %dma_start3A_198 : memref<1x50x64xf32, #tpu.memory_space<hbm>> -> memref<50x64xf32, #tpu.memory_space<hbm>>
      %dma_start3A_200 = arith.constant 0 : i32
      %dma_start3A_201 = arith.constant 0 : i32
      %dma_start3A_202 = tpu.memref_slice %arg7[%dma_start3A_184, %dma_start3A_200, %dma_start3A_201] : memref<4x50x64xf32, #tpu.memory_space<vmem>> -> memref<1x50x64xf32, #tpu.memory_space<vmem>>
      %dma_start3A_203 = tpu.memref_squeeze %dma_start3A_202 : memref<1x50x64xf32, #tpu.memory_space<vmem>> -> memref<50x64xf32, #tpu.memory_space<vmem>>
      tpu.enqueue_dma source(%dma_start3A_203 : memref<50x64xf32, #tpu.memory_space<vmem>>) target(%dma_start3A_199 : memref<50x64xf32, #tpu.memory_space<hbm>>) target_semaphore(%dma_start3A_195 : memref<!tpu.dma_semaphore, #tpu.memory_space<semaphore_mem>>)
      %add3A_204 = arith.constant 1 : i32
      %add3A_205 = arith.addi %scan3A_154, %add3A_204 : i32
      %lt3A = arith.constant 128 : i32
      %lt3A_206 = arith.cmpi slt, %add3A_205, %lt3A : i32
      %convert_element_type3A_207 = arith.extui %lt3A_206 : i1 to i32
      %cond3A_208 = arith.constant 0 : i32
      %cond3A_209 = arith.cmpi ne, %convert_element_type3A_207, %cond3A_208 : i32
      scf.if %cond3A_209 {
        %add3A_381 = arith.constant 4 : i32
        %add3A_382 = arith.addi %mul3A_156, %add3A_381 : i32
        %add3A_383 = arith.constant 0 : i32
        %add3A_384 = arith.addi %add3A_382, %add3A_383 : i32
        %dma_start3A_385 = arith.constant 0 : i32
        %dma_start3A_386 = arith.constant 0 : i32
        %dma_start3A_387 = arith.constant 0 : i32
        %dma_start3A_388 = arith.constant 0 : i32
        %dma_start3A_389 = tpu.memref_slice %arg6[%dma_start3A_385, %dma_start3A_387, %dma_start3A_388] : memref<4x50x128xf32, #tpu.memory_space<vmem>> -> memref<1x50x128xf32, #tpu.memory_space<vmem>>
        %dma_start3A_390 = tpu.memref_squeeze %dma_start3A_389 : memref<1x50x128xf32, #tpu.memory_space<vmem>> -> memref<50x128xf32, #tpu.memory_space<vmem>>
        %dma_start3A_391 = arith.constant 0 : i32
        %dma_start3A_392 = tpu.memref_slice %arg5[%add3A_384, %dma_start3A_391] : memref<512x50xi32, #tpu.memory_space<vmem>> -> memref<1x50xi32, #tpu.memory_space<vmem>>
        %dma_start3A_393 = tpu.memref_squeeze %dma_start3A_392 : memref<1x50xi32, #tpu.memory_space<vmem>> -> memref<50xi32, #tpu.memory_space<vmem>>
        %dma_start3A_394 = arith.constant 0 : i32
        %dma_start3A_395 = arith.constant 0 : i32
        %dma_start3A_396 = tpu.memref_slice %arg3[%dma_start3A_394, %dma_start3A_395] : memref<1000000x128xf32, #tpu.memory_space<hbm>> -> memref<1000000x128xf32, #tpu.memory_space<hbm>>
        %dma_start3A_397 = tpu.memref_slice %arg8[%dma_start3A_386] : memref<4x!tpu.dma_semaphore, #tpu.memory_space<semaphore_mem>> -> memref<1x!tpu.dma_semaphore, #tpu.memory_space<semaphore_mem>>
        %dma_start3A_398 = tpu.memref_squeeze %dma_start3A_397 : memref<1x!tpu.dma_semaphore, #tpu.memory_space<semaphore_mem>> -> memref<!tpu.dma_semaphore, #tpu.memory_space<semaphore_mem>>
        tpu.enqueue_indirect_dma source(%dma_start3A_396 : memref<1000000x128xf32, #tpu.memory_space<hbm>>) target(%dma_start3A_390 : memref<50x128xf32, #tpu.memory_space<vmem>>) offsets(%dma_start3A_393 : memref<50xi32, #tpu.memory_space<vmem>>) semaphore(%dma_start3A_398 : memref<!tpu.dma_semaphore, #tpu.memory_space<semaphore_mem>>)
      } else {
      }
      %add3A_210 = arith.constant 1 : i32
      %add3A_211 = arith.addi %mul3A_156, %add3A_210 : i32
      %dma_wait3A_212 = arith.constant 1 : i32
      %dma_wait3A_213 = arith.constant 1 : i32
      %dma_wait3A_214 = arith.constant 0 : i32
      %dma_wait3A_215 = arith.constant 0 : i32
      %dma_wait3A_216 = tpu.memref_slice %arg6[%dma_wait3A_212, %dma_wait3A_214, %dma_wait3A_215] : memref<4x50x128xf32, #tpu.memory_space<vmem>> -> memref<1x50x128xf32, #tpu.memory_space<vmem>>
      %dma_wait3A_217 = tpu.memref_squeeze %dma_wait3A_216 : memref<1x50x128xf32, #tpu.memory_space<vmem>> -> memref<50x128xf32, #tpu.memory_space<vmem>>
      %dma_wait3A_218 = arith.constant 0 : i32
      %dma_wait3A_219 = tpu.memref_slice %arg5[%add3A_211, %dma_wait3A_218] : memref<512x50xi32, #tpu.memory_space<vmem>> -> memref<1x50xi32, #tpu.memory_space<vmem>>
      %dma_wait3A_220 = tpu.memref_squeeze %dma_wait3A_219 : memref<1x50xi32, #tpu.memory_space<vmem>> -> memref<50xi32, #tpu.memory_space<vmem>>
      %dma_wait3A_221 = arith.constant 0 : i32
      %dma_wait3A_222 = arith.constant 0 : i32
      %dma_wait3A_223 = tpu.memref_slice %arg3[%dma_wait3A_221, %dma_wait3A_222] : memref<1000000x128xf32, #tpu.memory_space<hbm>> -> memref<1000000x128xf32, #tpu.memory_space<hbm>>
      %dma_wait3A_224 = tpu.memref_slice %arg8[%dma_wait3A_213] : memref<4x!tpu.dma_semaphore, #tpu.memory_space<semaphore_mem>> -> memref<1x!tpu.dma_semaphore, #tpu.memory_space<semaphore_mem>>
      %dma_wait3A_225 = tpu.memref_squeeze %dma_wait3A_224 : memref<1x!tpu.dma_semaphore, #tpu.memory_space<semaphore_mem>> -> memref<!tpu.dma_semaphore, #tpu.memory_space<semaphore_mem>>
      tpu.wait_indirect_dma semaphore(%dma_wait3A_225 : memref<!tpu.dma_semaphore, #tpu.memory_space<semaphore_mem>>) src(%dma_wait3A_223 : memref<1000000x128xf32, #tpu.memory_space<hbm>>) dst(%dma_wait3A_217 : memref<50x128xf32, #tpu.memory_space<vmem>>)
      %gt3A_226 = arith.constant 0 : i32
      %gt3A_227 = arith.cmpi sgt, %scan3A_154, %gt3A_226 : i32
      %convert_element_type3A_228 = arith.extui %gt3A_227 : i1 to i32
      %cond3A_229 = arith.constant 0 : i32
      %cond3A_230 = arith.cmpi ne, %convert_element_type3A_228, %cond3A_229 : i32
      scf.if %cond3A_230 {
        %sub3A = arith.constant 4 : i32
        %sub3A_381 = arith.subi %mul3A_156, %sub3A : i32
        %add3A_382 = arith.constant 1 : i32
        %add3A_383 = arith.addi %sub3A_381, %add3A_382 : i32
        %add3A_384 = arith.addi %mul3A_2, %add3A_383 : i32
        %dma_wait3A_385 = arith.constant 1 : i32
        %dma_wait3A_386 = arith.constant 1 : i32
        %dma_wait3A_387 = arith.constant 0 : i32
        %dma_wait3A_388 = arith.constant 0 : i32
        %dma_wait3A_389 = tpu.memref_slice %arg7[%dma_wait3A_385, %dma_wait3A_387, %dma_wait3A_388] : memref<4x50x64xf32, #tpu.memory_space<vmem>> -> memref<1x50x64xf32, #tpu.memory_space<vmem>>
        %dma_wait3A_390 = tpu.memref_squeeze %dma_wait3A_389 : memref<1x50x64xf32, #tpu.memory_space<vmem>> -> memref<50x64xf32, #tpu.memory_space<vmem>>
        %dma_wait3A_391 = arith.constant 0 : i32
        %dma_wait3A_392 = arith.constant 0 : i32
        %dma_wait3A_393 = tpu.memref_slice %arg4[%add3A_384, %dma_wait3A_391, %dma_wait3A_392] : memref<16384x50x64xf32, #tpu.memory_space<hbm>> -> memref<1x50x64xf32, #tpu.memory_space<hbm>>
        %dma_wait3A_394 = tpu.memref_squeeze %dma_wait3A_393 : memref<1x50x64xf32, #tpu.memory_space<hbm>> -> memref<50x64xf32, #tpu.memory_space<hbm>>
        %dma_wait3A_395 = tpu.memref_slice %arg9[%dma_wait3A_386] : memref<4x!tpu.dma_semaphore, #tpu.memory_space<semaphore_mem>> -> memref<1x!tpu.dma_semaphore, #tpu.memory_space<semaphore_mem>>
        %dma_wait3A_396 = tpu.memref_squeeze %dma_wait3A_395 : memref<1x!tpu.dma_semaphore, #tpu.memory_space<semaphore_mem>> -> memref<!tpu.dma_semaphore, #tpu.memory_space<semaphore_mem>>
        %dma_wait3A_397 = arith.constant 0 : i32
        %dma_wait3A_398 = arith.constant 0 : i32
        %dma_wait3A_399 = tpu.memref_slice %arg4[%add3A_384, %dma_wait3A_397, %dma_wait3A_398] : memref<16384x50x64xf32, #tpu.memory_space<hbm>> -> memref<1x50x64xf32, #tpu.memory_space<hbm>>
        %dma_wait3A_400 = tpu.memref_squeeze %dma_wait3A_399 : memref<1x50x64xf32, #tpu.memory_space<hbm>> -> memref<50x64xf32, #tpu.memory_space<hbm>>
        %dma_wait3A_401 = arith.constant 0 : i32
        %dma_wait3A_402 = arith.constant 0 : i32
        %dma_wait3A_403 = tpu.memref_slice %arg7[%dma_wait3A_385, %dma_wait3A_401, %dma_wait3A_402] : memref<4x50x64xf32, #tpu.memory_space<vmem>> -> memref<1x50x64xf32, #tpu.memory_space<vmem>>
        %dma_wait3A_404 = tpu.memref_squeeze %dma_wait3A_403 : memref<1x50x64xf32, #tpu.memory_space<vmem>> -> memref<50x64xf32, #tpu.memory_space<vmem>>
        tpu.wait_dma2 semaphore(%dma_wait3A_396 : memref<!tpu.dma_semaphore, #tpu.memory_space<semaphore_mem>>) src(%dma_wait3A_404 : memref<50x64xf32, #tpu.memory_space<vmem>>) dst(%dma_wait3A_400 : memref<50x64xf32, #tpu.memory_space<hbm>>)
      } else {
      }
      %scan3A_231 = arith.constant 0 : i32
      %scan3A_232 = arith.constant 0 : i32
      %scan3A_233 = arith.constant 25 : i32
      %scan3A_234 = arith.addi %scan3A_232, %scan3A_233 : i32
      %scan3A_235 = arith.constant 1 : i32
      scf.for %scan3A_381 = %scan3A_232 to %scan3A_234 step %scan3A_235  : i32 {
        %mul3A_382 = arith.constant 2 : i32
        %mul3A_383 = arith.muli %scan3A_381, %mul3A_382 : i32
        %add3A_384 = arith.constant 0 : i32
        %add3A_385 = arith.addi %mul3A_383, %add3A_384 : i32
        %get3A = arith.constant 1 : i32
        %get3A_386 = arith.index_cast %get3A : i32 to index
        %get3A_387 = arith.index_cast %add3A_385 : i32 to index
        %get3A_388 = arith.constant 0 : index
        %get3A_389 = tpu.vector_load %arg6[%get3A_386, %get3A_387, %get3A_388] {strides = array<i32>} : memref<4x50x128xf32, #tpu.memory_space<vmem>>, vector<1x1x16xf32>,
        %get3A_390 = vector.shape_cast %get3A_389 : vector<1x1x16xf32> to vector<16xf32>
        %mul3A_391 = arith.constant 2 : i32
        %mul3A_392 = arith.muli %scan3A_381, %mul3A_391 : i32
        %add3A_393 = arith.constant 0 : i32
        %add3A_394 = arith.addi %mul3A_392, %add3A_393 : i32
        %swap3A = arith.constant 1 : i32
        %swap3A_395 = arith.index_cast %swap3A : i32 to index
        %swap3A_396 = arith.index_cast %add3A_394 : i32 to index
        %swap3A_397 = arith.constant 0 : index
        %swap3A_398 = tpu.vector_load %arg7[%swap3A_395, %swap3A_396, %swap3A_397] {strides = array<i32>} : memref<4x50x64xf32, #tpu.memory_space<vmem>>, vector<1x1x16xf32>,
        %swap3A_399 = vector.shape_cast %swap3A_398 : vector<1x1x16xf32> to vector<16xf32>
        %swap3A_400 = vector.shape_cast %get3A_390 : vector<16xf32> to vector<1x1x16xf32>
        tpu.vector_store %arg7[%swap3A_395, %swap3A_396, %swap3A_397], %swap3A_400 {strides = array<i32>} : memref<4x50x64xf32, #tpu.memory_space<vmem>>, vector<1x1x16xf32>,
        %mul3A_401 = arith.constant 2 : i32
        %mul3A_402 = arith.muli %scan3A_381, %mul3A_401 : i32
        %add3A_403 = arith.constant 0 : i32
        %add3A_404 = arith.addi %mul3A_402, %add3A_403 : i32
        %get3A_405 = arith.constant 1 : i32
        %get3A_406 = arith.index_cast %get3A_405 : i32 to index
        %get3A_407 = arith.index_cast %add3A_404 : i32 to index
        %get3A_408 = arith.constant 16 : index
        %get3A_409 = tpu.vector_load %arg6[%get3A_406, %get3A_407, %get3A_408] {strides = array<i32>} : memref<4x50x128xf32, #tpu.memory_space<vmem>>, vector<1x1x16xf32>,
        %get3A_410 = vector.shape_cast %get3A_409 : vector<1x1x16xf32> to vector<16xf32>
        %mul3A_411 = arith.constant 2 : i32
        %mul3A_412 = arith.muli %scan3A_381, %mul3A_411 : i32
        %add3A_413 = arith.constant 0 : i32
        %add3A_414 = arith.addi %mul3A_412, %add3A_413 : i32
        %swap3A_415 = arith.constant 1 : i32
        %swap3A_416 = arith.index_cast %swap3A_415 : i32 to index
        %swap3A_417 = arith.index_cast %add3A_414 : i32 to index
        %swap3A_418 = arith.constant 16 : index
        %swap3A_419 = tpu.vector_load %arg7[%swap3A_416, %swap3A_417, %swap3A_418] {strides = array<i32>} : memref<4x50x64xf32, #tpu.memory_space<vmem>>, vector<1x1x16xf32>,
        %swap3A_420 = vector.shape_cast %swap3A_419 : vector<1x1x16xf32> to vector<16xf32>
        %swap3A_421 = vector.shape_cast %get3A_410 : vector<16xf32> to vector<1x1x16xf32>
        tpu.vector_store %arg7[%swap3A_416, %swap3A_417, %swap3A_418], %swap3A_421 {strides = array<i32>} : memref<4x50x64xf32, #tpu.memory_space<vmem>>, vector<1x1x16xf32>,
        %mul3A_422 = arith.constant 2 : i32
        %mul3A_423 = arith.muli %scan3A_381, %mul3A_422 : i32
        %add3A_424 = arith.constant 0 : i32
        %add3A_425 = arith.addi %mul3A_423, %add3A_424 : i32
        %get3A_426 = arith.constant 1 : i32
        %get3A_427 = arith.index_cast %get3A_426 : i32 to index
        %get3A_428 = arith.index_cast %add3A_425 : i32 to index
        %get3A_429 = arith.constant 32 : index
        %get3A_430 = tpu.vector_load %arg6[%get3A_427, %get3A_428, %get3A_429] {strides = array<i32>} : memref<4x50x128xf32, #tpu.memory_space<vmem>>, vector<1x1x16xf32>,
        %get3A_431 = vector.shape_cast %get3A_430 : vector<1x1x16xf32> to vector<16xf32>
        %mul3A_432 = arith.constant 2 : i32
        %mul3A_433 = arith.muli %scan3A_381, %mul3A_432 : i32
        %add3A_434 = arith.constant 0 : i32
        %add3A_435 = arith.addi %mul3A_433, %add3A_434 : i32
        %swap3A_436 = arith.constant 1 : i32
        %swap3A_437 = arith.index_cast %swap3A_436 : i32 to index
        %swap3A_438 = arith.index_cast %add3A_435 : i32 to index
        %swap3A_439 = arith.constant 32 : index
        %swap3A_440 = tpu.vector_load %arg7[%swap3A_437, %swap3A_438, %swap3A_439] {strides = array<i32>} : memref<4x50x64xf32, #tpu.memory_space<vmem>>, vector<1x1x16xf32>,
        %swap3A_441 = vector.shape_cast %swap3A_440 : vector<1x1x16xf32> to vector<16xf32>
        %swap3A_442 = vector.shape_cast %get3A_431 : vector<16xf32> to vector<1x1x16xf32>
        tpu.vector_store %arg7[%swap3A_437, %swap3A_438, %swap3A_439], %swap3A_442 {strides = array<i32>} : memref<4x50x64xf32, #tpu.memory_space<vmem>>, vector<1x1x16xf32>,
        %mul3A_443 = arith.constant 2 : i32
        %mul3A_444 = arith.muli %scan3A_381, %mul3A_443 : i32
        %add3A_445 = arith.constant 0 : i32
        %add3A_446 = arith.addi %mul3A_444, %add3A_445 : i32
        %get3A_447 = arith.constant 1 : i32
        %get3A_448 = arith.index_cast %get3A_447 : i32 to index
        %get3A_449 = arith.index_cast %add3A_446 : i32 to index
        %get3A_450 = arith.constant 48 : index
        %get3A_451 = tpu.vector_load %arg6[%get3A_448, %get3A_449, %get3A_450] {strides = array<i32>} : memref<4x50x128xf32, #tpu.memory_space<vmem>>, vector<1x1x16xf32>,
        %get3A_452 = vector.shape_cast %get3A_451 : vector<1x1x16xf32> to vector<16xf32>
        %mul3A_453 = arith.constant 2 : i32
        %mul3A_454 = arith.muli %scan3A_381, %mul3A_453 : i32
        %add3A_455 = arith.constant 0 : i32
        %add3A_456 = arith.addi %mul3A_454, %add3A_455 : i32
        %swap3A_457 = arith.constant 1 : i32
        %swap3A_458 = arith.index_cast %swap3A_457 : i32 to index
        %swap3A_459 = arith.index_cast %add3A_456 : i32 to index
        %swap3A_460 = arith.constant 48 : index
        %swap3A_461 = tpu.vector_load %arg7[%swap3A_458, %swap3A_459, %swap3A_460] {strides = array<i32>} : memref<4x50x64xf32, #tpu.memory_space<vmem>>, vector<1x1x16xf32>,
        %swap3A_462 = vector.shape_cast %swap3A_461 : vector<1x1x16xf32> to vector<16xf32>
        %swap3A_463 = vector.shape_cast %get3A_452 : vector<16xf32> to vector<1x1x16xf32>
        tpu.vector_store %arg7[%swap3A_458, %swap3A_459, %swap3A_460], %swap3A_463 {strides = array<i32>} : memref<4x50x64xf32, #tpu.memory_space<vmem>>, vector<1x1x16xf32>,
        %mul3A_464 = arith.constant 2 : i32
        %mul3A_465 = arith.muli %scan3A_381, %mul3A_464 : i32
        %add3A_466 = arith.constant 1 : i32
        %add3A_467 = arith.addi %mul3A_465, %add3A_466 : i32
        %get3A_468 = arith.constant 1 : i32
        %get3A_469 = arith.index_cast %get3A_468 : i32 to index
        %get3A_470 = arith.index_cast %add3A_467 : i32 to index
        %get3A_471 = arith.constant 0 : index
        %get3A_472 = tpu.vector_load %arg6[%get3A_469, %get3A_470, %get3A_471] {strides = array<i32>} : memref<4x50x128xf32, #tpu.memory_space<vmem>>, vector<1x1x16xf32>,
        %get3A_473 = vector.shape_cast %get3A_472 : vector<1x1x16xf32> to vector<16xf32>
        %mul3A_474 = arith.constant 2 : i32
        %mul3A_475 = arith.muli %scan3A_381, %mul3A_474 : i32
        %add3A_476 = arith.constant 1 : i32
        %add3A_477 = arith.addi %mul3A_475, %add3A_476 : i32
        %swap3A_478 = arith.constant 1 : i32
        %swap3A_479 = arith.index_cast %swap3A_478 : i32 to index
        %swap3A_480 = arith.index_cast %add3A_477 : i32 to index
        %swap3A_481 = arith.constant 0 : index
        %swap3A_482 = tpu.vector_load %arg7[%swap3A_479, %swap3A_480, %swap3A_481] {strides = array<i32>} : memref<4x50x64xf32, #tpu.memory_space<vmem>>, vector<1x1x16xf32>,
        %swap3A_483 = vector.shape_cast %swap3A_482 : vector<1x1x16xf32> to vector<16xf32>
        %swap3A_484 = vector.shape_cast %get3A_473 : vector<16xf32> to vector<1x1x16xf32>
        tpu.vector_store %arg7[%swap3A_479, %swap3A_480, %swap3A_481], %swap3A_484 {strides = array<i32>} : memref<4x50x64xf32, #tpu.memory_space<vmem>>, vector<1x1x16xf32>,
        %mul3A_485 = arith.constant 2 : i32
        %mul3A_486 = arith.muli %scan3A_381, %mul3A_485 : i32
        %add3A_487 = arith.constant 1 : i32
        %add3A_488 = arith.addi %mul3A_486, %add3A_487 : i32
        %get3A_489 = arith.constant 1 : i32
        %get3A_490 = arith.index_cast %get3A_489 : i32 to index
        %get3A_491 = arith.index_cast %add3A_488 : i32 to index
        %get3A_492 = arith.constant 16 : index
        %get3A_493 = tpu.vector_load %arg6[%get3A_490, %get3A_491, %get3A_492] {strides = array<i32>} : memref<4x50x128xf32, #tpu.memory_space<vmem>>, vector<1x1x16xf32>,
        %get3A_494 = vector.shape_cast %get3A_493 : vector<1x1x16xf32> to vector<16xf32>
        %mul3A_495 = arith.constant 2 : i32
        %mul3A_496 = arith.muli %scan3A_381, %mul3A_495 : i32
        %add3A_497 = arith.constant 1 : i32
        %add3A_498 = arith.addi %mul3A_496, %add3A_497 : i32
        %swap3A_499 = arith.constant 1 : i32
        %swap3A_500 = arith.index_cast %swap3A_499 : i32 to index
        %swap3A_501 = arith.index_cast %add3A_498 : i32 to index
        %swap3A_502 = arith.constant 16 : index
        %swap3A_503 = tpu.vector_load %arg7[%swap3A_500, %swap3A_501, %swap3A_502] {strides = array<i32>} : memref<4x50x64xf32, #tpu.memory_space<vmem>>, vector<1x1x16xf32>,
        %swap3A_504 = vector.shape_cast %swap3A_503 : vector<1x1x16xf32> to vector<16xf32>
        %swap3A_505 = vector.shape_cast %get3A_494 : vector<16xf32> to vector<1x1x16xf32>
        tpu.vector_store %arg7[%swap3A_500, %swap3A_501, %swap3A_502], %swap3A_505 {strides = array<i32>} : memref<4x50x64xf32, #tpu.memory_space<vmem>>, vector<1x1x16xf32>,
        %mul3A_506 = arith.constant 2 : i32
        %mul3A_507 = arith.muli %scan3A_381, %mul3A_506 : i32
        %add3A_508 = arith.constant 1 : i32
        %add3A_509 = arith.addi %mul3A_507, %add3A_508 : i32
        %get3A_510 = arith.constant 1 : i32
        %get3A_511 = arith.index_cast %get3A_510 : i32 to index
        %get3A_512 = arith.index_cast %add3A_509 : i32 to index
        %get3A_513 = arith.constant 32 : index
        %get3A_514 = tpu.vector_load %arg6[%get3A_511, %get3A_512, %get3A_513] {strides = array<i32>} : memref<4x50x128xf32, #tpu.memory_space<vmem>>, vector<1x1x16xf32>,
        %get3A_515 = vector.shape_cast %get3A_514 : vector<1x1x16xf32> to vector<16xf32>
        %mul3A_516 = arith.constant 2 : i32
        %mul3A_517 = arith.muli %scan3A_381, %mul3A_516 : i32
        %add3A_518 = arith.constant 1 : i32
        %add3A_519 = arith.addi %mul3A_517, %add3A_518 : i32
        %swap3A_520 = arith.constant 1 : i32
        %swap3A_521 = arith.index_cast %swap3A_520 : i32 to index
        %swap3A_522 = arith.index_cast %add3A_519 : i32 to index
        %swap3A_523 = arith.constant 32 : index
        %swap3A_524 = tpu.vector_load %arg7[%swap3A_521, %swap3A_522, %swap3A_523] {strides = array<i32>} : memref<4x50x64xf32, #tpu.memory_space<vmem>>, vector<1x1x16xf32>,
        %swap3A_525 = vector.shape_cast %swap3A_524 : vector<1x1x16xf32> to vector<16xf32>
        %swap3A_526 = vector.shape_cast %get3A_515 : vector<16xf32> to vector<1x1x16xf32>
        tpu.vector_store %arg7[%swap3A_521, %swap3A_522, %swap3A_523], %swap3A_526 {strides = array<i32>} : memref<4x50x64xf32, #tpu.memory_space<vmem>>, vector<1x1x16xf32>,
        %mul3A_527 = arith.constant 2 : i32
        %mul3A_528 = arith.muli %scan3A_381, %mul3A_527 : i32
        %add3A_529 = arith.constant 1 : i32
        %add3A_530 = arith.addi %mul3A_528, %add3A_529 : i32
        %get3A_531 = arith.constant 1 : i32
        %get3A_532 = arith.index_cast %get3A_531 : i32 to index
        %get3A_533 = arith.index_cast %add3A_530 : i32 to index
        %get3A_534 = arith.constant 48 : index
        %get3A_535 = tpu.vector_load %arg6[%get3A_532, %get3A_533, %get3A_534] {strides = array<i32>} : memref<4x50x128xf32, #tpu.memory_space<vmem>>, vector<1x1x16xf32>,
        %get3A_536 = vector.shape_cast %get3A_535 : vector<1x1x16xf32> to vector<16xf32>
        %mul3A_537 = arith.constant 2 : i32
        %mul3A_538 = arith.muli %scan3A_381, %mul3A_537 : i32
        %add3A_539 = arith.constant 1 : i32
        %add3A_540 = arith.addi %mul3A_538, %add3A_539 : i32
        %swap3A_541 = arith.constant 1 : i32
        %swap3A_542 = arith.index_cast %swap3A_541 : i32 to index
        %swap3A_543 = arith.index_cast %add3A_540 : i32 to index
        %swap3A_544 = arith.constant 48 : index
        %swap3A_545 = tpu.vector_load %arg7[%swap3A_542, %swap3A_543, %swap3A_544] {strides = array<i32>} : memref<4x50x64xf32, #tpu.memory_space<vmem>>, vector<1x1x16xf32>,
        %swap3A_546 = vector.shape_cast %swap3A_545 : vector<1x1x16xf32> to vector<16xf32>
        %swap3A_547 = vector.shape_cast %get3A_536 : vector<16xf32> to vector<1x1x16xf32>
        tpu.vector_store %arg7[%swap3A_542, %swap3A_543, %swap3A_544], %swap3A_547 {strides = array<i32>} : memref<4x50x64xf32, #tpu.memory_space<vmem>>, vector<1x1x16xf32>,
      }
      %scan3A_236 = arith.constant 25 : i32
      %add3A_237 = arith.constant 1 : i32
      %add3A_238 = arith.addi %mul3A_156, %add3A_237 : i32
      %add3A_239 = arith.addi %mul3A_2, %add3A_238 : i32
      %dma_start3A_240 = arith.constant 1 : i32
      %dma_start3A_241 = arith.constant 1 : i32
      %dma_start3A_242 = arith.constant 0 : i32
      %dma_start3A_243 = arith.constant 0 : i32
      %dma_start3A_244 = tpu.memref_slice %arg7[%dma_start3A_240, %dma_start3A_242, %dma_start3A_243] : memref<4x50x64xf32, #tpu.memory_space<vmem>> -> memref<1x50x64xf32, #tpu.memory_space<vmem>>
      %dma_start3A_245 = tpu.memref_squeeze %dma_start3A_244 : memref<1x50x64xf32, #tpu.memory_space<vmem>> -> memref<50x64xf32, #tpu.memory_space<vmem>>
      %dma_start3A_246 = arith.constant 0 : i32
      %dma_start3A_247 = arith.constant 0 : i32
      %dma_start3A_248 = tpu.memref_slice %arg4[%add3A_239, %dma_start3A_246, %dma_start3A_247] : memref<16384x50x64xf32, #tpu.memory_space<hbm>> -> memref<1x50x64xf32, #tpu.memory_space<hbm>>
      %dma_start3A_249 = tpu.memref_squeeze %dma_start3A_248 : memref<1x50x64xf32, #tpu.memory_space<hbm>> -> memref<50x64xf32, #tpu.memory_space<hbm>>
      %dma_start3A_250 = tpu.memref_slice %arg9[%dma_start3A_241] : memref<4x!tpu.dma_semaphore, #tpu.memory_space<semaphore_mem>> -> memref<1x!tpu.dma_semaphore, #tpu.memory_space<semaphore_mem>>
      %dma_start3A_251 = tpu.memref_squeeze %dma_start3A_250 : memref<1x!tpu.dma_semaphore, #tpu.memory_space<semaphore_mem>> -> memref<!tpu.dma_semaphore, #tpu.memory_space<semaphore_mem>>
      %dma_start3A_252 = arith.constant 0 : i32
      %dma_start3A_253 = arith.constant 0 : i32
      %dma_start3A_254 = tpu.memref_slice %arg4[%add3A_239, %dma_start3A_252, %dma_start3A_253] : memref<16384x50x64xf32, #tpu.memory_space<hbm>> -> memref<1x50x64xf32, #tpu.memory_space<hbm>>
      %dma_start3A_255 = tpu.memref_squeeze %dma_start3A_254 : memref<1x50x64xf32, #tpu.memory_space<hbm>> -> memref<50x64xf32, #tpu.memory_space<hbm>>
      %dma_start3A_256 = arith.constant 0 : i32
      %dma_start3A_257 = arith.constant 0 : i32
      %dma_start3A_258 = tpu.memref_slice %arg7[%dma_start3A_240, %dma_start3A_256, %dma_start3A_257] : memref<4x50x64xf32, #tpu.memory_space<vmem>> -> memref<1x50x64xf32, #tpu.memory_space<vmem>>
      %dma_start3A_259 = tpu.memref_squeeze %dma_start3A_258 : memref<1x50x64xf32, #tpu.memory_space<vmem>> -> memref<50x64xf32, #tpu.memory_space<vmem>>
      tpu.enqueue_dma source(%dma_start3A_259 : memref<50x64xf32, #tpu.memory_space<vmem>>) target(%dma_start3A_255 : memref<50x64xf32, #tpu.memory_space<hbm>>) target_semaphore(%dma_start3A_251 : memref<!tpu.dma_semaphore, #tpu.memory_space<semaphore_mem>>)
      %add3A_260 = arith.constant 1 : i32
      %add3A_261 = arith.addi %scan3A_154, %add3A_260 : i32
      %lt3A_262 = arith.constant 128 : i32
      %lt3A_263 = arith.cmpi slt, %add3A_261, %lt3A_262 : i32
      %convert_element_type3A_264 = arith.extui %lt3A_263 : i1 to i32
      %cond3A_265 = arith.constant 0 : i32
      %cond3A_266 = arith.cmpi ne, %convert_element_type3A_264, %cond3A_265 : i32
      scf.if %cond3A_266 {
        %add3A_381 = arith.constant 4 : i32
        %add3A_382 = arith.addi %mul3A_156, %add3A_381 : i32
        %add3A_383 = arith.constant 1 : i32
        %add3A_384 = arith.addi %add3A_382, %add3A_383 : i32
        %dma_start3A_385 = arith.constant 1 : i32
        %dma_start3A_386 = arith.constant 1 : i32
        %dma_start3A_387 = arith.constant 0 : i32
        %dma_start3A_388 = arith.constant 0 : i32
        %dma_start3A_389 = tpu.memref_slice %arg6[%dma_start3A_385, %dma_start3A_387, %dma_start3A_388] : memref<4x50x128xf32, #tpu.memory_space<vmem>> -> memref<1x50x128xf32, #tpu.memory_space<vmem>>
        %dma_start3A_390 = tpu.memref_squeeze %dma_start3A_389 : memref<1x50x128xf32, #tpu.memory_space<vmem>> -> memref<50x128xf32, #tpu.memory_space<vmem>>
        %dma_start3A_391 = arith.constant 0 : i32
        %dma_start3A_392 = tpu.memref_slice %arg5[%add3A_384, %dma_start3A_391] : memref<512x50xi32, #tpu.memory_space<vmem>> -> memref<1x50xi32, #tpu.memory_space<vmem>>
        %dma_start3A_393 = tpu.memref_squeeze %dma_start3A_392 : memref<1x50xi32, #tpu.memory_space<vmem>> -> memref<50xi32, #tpu.memory_space<vmem>>
        %dma_start3A_394 = arith.constant 0 : i32
        %dma_start3A_395 = arith.constant 0 : i32
        %dma_start3A_396 = tpu.memref_slice %arg3[%dma_start3A_394, %dma_start3A_395] : memref<1000000x128xf32, #tpu.memory_space<hbm>> -> memref<1000000x128xf32, #tpu.memory_space<hbm>>
        %dma_start3A_397 = tpu.memref_slice %arg8[%dma_start3A_386] : memref<4x!tpu.dma_semaphore, #tpu.memory_space<semaphore_mem>> -> memref<1x!tpu.dma_semaphore, #tpu.memory_space<semaphore_mem>>
        %dma_start3A_398 = tpu.memref_squeeze %dma_start3A_397 : memref<1x!tpu.dma_semaphore, #tpu.memory_space<semaphore_mem>> -> memref<!tpu.dma_semaphore, #tpu.memory_space<semaphore_mem>>
        tpu.enqueue_indirect_dma source(%dma_start3A_396 : memref<1000000x128xf32, #tpu.memory_space<hbm>>) target(%dma_start3A_390 : memref<50x128xf32, #tpu.memory_space<vmem>>) offsets(%dma_start3A_393 : memref<50xi32, #tpu.memory_space<vmem>>) semaphore(%dma_start3A_398 : memref<!tpu.dma_semaphore, #tpu.memory_space<semaphore_mem>>)
      } else {
      }
      %add3A_267 = arith.constant 2 : i32
      %add3A_268 = arith.addi %mul3A_156, %add3A_267 : i32
      %dma_wait3A_269 = arith.constant 2 : i32
      %dma_wait3A_270 = arith.constant 2 : i32
      %dma_wait3A_271 = arith.constant 0 : i32
      %dma_wait3A_272 = arith.constant 0 : i32
      %dma_wait3A_273 = tpu.memref_slice %arg6[%dma_wait3A_269, %dma_wait3A_271, %dma_wait3A_272] : memref<4x50x128xf32, #tpu.memory_space<vmem>> -> memref<1x50x128xf32, #tpu.memory_space<vmem>>
      %dma_wait3A_274 = tpu.memref_squeeze %dma_wait3A_273 : memref<1x50x128xf32, #tpu.memory_space<vmem>> -> memref<50x128xf32, #tpu.memory_space<vmem>>
      %dma_wait3A_275 = arith.constant 0 : i32
      %dma_wait3A_276 = tpu.memref_slice %arg5[%add3A_268, %dma_wait3A_275] : memref<512x50xi32, #tpu.memory_space<vmem>> -> memref<1x50xi32, #tpu.memory_space<vmem>>
      %dma_wait3A_277 = tpu.memref_squeeze %dma_wait3A_276 : memref<1x50xi32, #tpu.memory_space<vmem>> -> memref<50xi32, #tpu.memory_space<vmem>>
      %dma_wait3A_278 = arith.constant 0 : i32
      %dma_wait3A_279 = arith.constant 0 : i32
      %dma_wait3A_280 = tpu.memref_slice %arg3[%dma_wait3A_278, %dma_wait3A_279] : memref<1000000x128xf32, #tpu.memory_space<hbm>> -> memref<1000000x128xf32, #tpu.memory_space<hbm>>
      %dma_wait3A_281 = tpu.memref_slice %arg8[%dma_wait3A_270] : memref<4x!tpu.dma_semaphore, #tpu.memory_space<semaphore_mem>> -> memref<1x!tpu.dma_semaphore, #tpu.memory_space<semaphore_mem>>
      %dma_wait3A_282 = tpu.memref_squeeze %dma_wait3A_281 : memref<1x!tpu.dma_semaphore, #tpu.memory_space<semaphore_mem>> -> memref<!tpu.dma_semaphore, #tpu.memory_space<semaphore_mem>>
      tpu.wait_indirect_dma semaphore(%dma_wait3A_282 : memref<!tpu.dma_semaphore, #tpu.memory_space<semaphore_mem>>) src(%dma_wait3A_280 : memref<1000000x128xf32, #tpu.memory_space<hbm>>) dst(%dma_wait3A_274 : memref<50x128xf32, #tpu.memory_space<vmem>>)
      %gt3A_283 = arith.constant 0 : i32
      %gt3A_284 = arith.cmpi sgt, %scan3A_154, %gt3A_283 : i32
      %convert_element_type3A_285 = arith.extui %gt3A_284 : i1 to i32
      %cond3A_286 = arith.constant 0 : i32
      %cond3A_287 = arith.cmpi ne, %convert_element_type3A_285, %cond3A_286 : i32
      scf.if %cond3A_287 {
        %sub3A = arith.constant 4 : i32
        %sub3A_381 = arith.subi %mul3A_156, %sub3A : i32
        %add3A_382 = arith.constant 2 : i32
        %add3A_383 = arith.addi %sub3A_381, %add3A_382 : i32
        %add3A_384 = arith.addi %mul3A_2, %add3A_383 : i32
        %dma_wait3A_385 = arith.constant 2 : i32
        %dma_wait3A_386 = arith.constant 2 : i32
        %dma_wait3A_387 = arith.constant 0 : i32
        %dma_wait3A_388 = arith.constant 0 : i32
        %dma_wait3A_389 = tpu.memref_slice %arg7[%dma_wait3A_385, %dma_wait3A_387, %dma_wait3A_388] : memref<4x50x64xf32, #tpu.memory_space<vmem>> -> memref<1x50x64xf32, #tpu.memory_space<vmem>>
        %dma_wait3A_390 = tpu.memref_squeeze %dma_wait3A_389 : memref<1x50x64xf32, #tpu.memory_space<vmem>> -> memref<50x64xf32, #tpu.memory_space<vmem>>
        %dma_wait3A_391 = arith.constant 0 : i32
        %dma_wait3A_392 = arith.constant 0 : i32
        %dma_wait3A_393 = tpu.memref_slice %arg4[%add3A_384, %dma_wait3A_391, %dma_wait3A_392] : memref<16384x50x64xf32, #tpu.memory_space<hbm>> -> memref<1x50x64xf32, #tpu.memory_space<hbm>>
        %dma_wait3A_394 = tpu.memref_squeeze %dma_wait3A_393 : memref<1x50x64xf32, #tpu.memory_space<hbm>> -> memref<50x64xf32, #tpu.memory_space<hbm>>
        %dma_wait3A_395 = tpu.memref_slice %arg9[%dma_wait3A_386] : memref<4x!tpu.dma_semaphore, #tpu.memory_space<semaphore_mem>> -> memref<1x!tpu.dma_semaphore, #tpu.memory_space<semaphore_mem>>
        %dma_wait3A_396 = tpu.memref_squeeze %dma_wait3A_395 : memref<1x!tpu.dma_semaphore, #tpu.memory_space<semaphore_mem>> -> memref<!tpu.dma_semaphore, #tpu.memory_space<semaphore_mem>>
        %dma_wait3A_397 = arith.constant 0 : i32
        %dma_wait3A_398 = arith.constant 0 : i32
        %dma_wait3A_399 = tpu.memref_slice %arg4[%add3A_384, %dma_wait3A_397, %dma_wait3A_398] : memref<16384x50x64xf32, #tpu.memory_space<hbm>> -> memref<1x50x64xf32, #tpu.memory_space<hbm>>
        %dma_wait3A_400 = tpu.memref_squeeze %dma_wait3A_399 : memref<1x50x64xf32, #tpu.memory_space<hbm>> -> memref<50x64xf32, #tpu.memory_space<hbm>>
        %dma_wait3A_401 = arith.constant 0 : i32
        %dma_wait3A_402 = arith.constant 0 : i32
        %dma_wait3A_403 = tpu.memref_slice %arg7[%dma_wait3A_385, %dma_wait3A_401, %dma_wait3A_402] : memref<4x50x64xf32, #tpu.memory_space<vmem>> -> memref<1x50x64xf32, #tpu.memory_space<vmem>>
        %dma_wait3A_404 = tpu.memref_squeeze %dma_wait3A_403 : memref<1x50x64xf32, #tpu.memory_space<vmem>> -> memref<50x64xf32, #tpu.memory_space<vmem>>
        tpu.wait_dma2 semaphore(%dma_wait3A_396 : memref<!tpu.dma_semaphore, #tpu.memory_space<semaphore_mem>>) src(%dma_wait3A_404 : memref<50x64xf32, #tpu.memory_space<vmem>>) dst(%dma_wait3A_400 : memref<50x64xf32, #tpu.memory_space<hbm>>)
      } else {
      }
      %scan3A_288 = arith.constant 0 : i32
      %scan3A_289 = arith.constant 0 : i32
      %scan3A_290 = arith.constant 25 : i32
      %scan3A_291 = arith.addi %scan3A_289, %scan3A_290 : i32
      %scan3A_292 = arith.constant 1 : i32
      scf.for %scan3A_381 = %scan3A_289 to %scan3A_291 step %scan3A_292  : i32 {
        %mul3A_382 = arith.constant 2 : i32
        %mul3A_383 = arith.muli %scan3A_381, %mul3A_382 : i32
        %add3A_384 = arith.constant 0 : i32
        %add3A_385 = arith.addi %mul3A_383, %add3A_384 : i32
        %get3A = arith.constant 2 : i32
        %get3A_386 = arith.index_cast %get3A : i32 to index
        %get3A_387 = arith.index_cast %add3A_385 : i32 to index
        %get3A_388 = arith.constant 0 : index
        %get3A_389 = tpu.vector_load %arg6[%get3A_386, %get3A_387, %get3A_388] {strides = array<i32>} : memref<4x50x128xf32, #tpu.memory_space<vmem>>, vector<1x1x16xf32>,
        %get3A_390 = vector.shape_cast %get3A_389 : vector<1x1x16xf32> to vector<16xf32>
        %mul3A_391 = arith.constant 2 : i32
        %mul3A_392 = arith.muli %scan3A_381, %mul3A_391 : i32
        %add3A_393 = arith.constant 0 : i32
        %add3A_394 = arith.addi %mul3A_392, %add3A_393 : i32
        %swap3A = arith.constant 2 : i32
        %swap3A_395 = arith.index_cast %swap3A : i32 to index
        %swap3A_396 = arith.index_cast %add3A_394 : i32 to index
        %swap3A_397 = arith.constant 0 : index
        %swap3A_398 = tpu.vector_load %arg7[%swap3A_395, %swap3A_396, %swap3A_397] {strides = array<i32>} : memref<4x50x64xf32, #tpu.memory_space<vmem>>, vector<1x1x16xf32>,
        %swap3A_399 = vector.shape_cast %swap3A_398 : vector<1x1x16xf32> to vector<16xf32>
        %swap3A_400 = vector.shape_cast %get3A_390 : vector<16xf32> to vector<1x1x16xf32>
        tpu.vector_store %arg7[%swap3A_395, %swap3A_396, %swap3A_397], %swap3A_400 {strides = array<i32>} : memref<4x50x64xf32, #tpu.memory_space<vmem>>, vector<1x1x16xf32>,
        %mul3A_401 = arith.constant 2 : i32
        %mul3A_402 = arith.muli %scan3A_381, %mul3A_401 : i32
        %add3A_403 = arith.constant 0 : i32
        %add3A_404 = arith.addi %mul3A_402, %add3A_403 : i32
        %get3A_405 = arith.constant 2 : i32
        %get3A_406 = arith.index_cast %get3A_405 : i32 to index
        %get3A_407 = arith.index_cast %add3A_404 : i32 to index
        %get3A_408 = arith.constant 16 : index
        %get3A_409 = tpu.vector_load %arg6[%get3A_406, %get3A_407, %get3A_408] {strides = array<i32>} : memref<4x50x128xf32, #tpu.memory_space<vmem>>, vector<1x1x16xf32>,
        %get3A_410 = vector.shape_cast %get3A_409 : vector<1x1x16xf32> to vector<16xf32>
        %mul3A_411 = arith.constant 2 : i32
        %mul3A_412 = arith.muli %scan3A_381, %mul3A_411 : i32
        %add3A_413 = arith.constant 0 : i32
        %add3A_414 = arith.addi %mul3A_412, %add3A_413 : i32
        %swap3A_415 = arith.constant 2 : i32
        %swap3A_416 = arith.index_cast %swap3A_415 : i32 to index
        %swap3A_417 = arith.index_cast %add3A_414 : i32 to index
        %swap3A_418 = arith.constant 16 : index
        %swap3A_419 = tpu.vector_load %arg7[%swap3A_416, %swap3A_417, %swap3A_418] {strides = array<i32>} : memref<4x50x64xf32, #tpu.memory_space<vmem>>, vector<1x1x16xf32>,
        %swap3A_420 = vector.shape_cast %swap3A_419 : vector<1x1x16xf32> to vector<16xf32>
        %swap3A_421 = vector.shape_cast %get3A_410 : vector<16xf32> to vector<1x1x16xf32>
        tpu.vector_store %arg7[%swap3A_416, %swap3A_417, %swap3A_418], %swap3A_421 {strides = array<i32>} : memref<4x50x64xf32, #tpu.memory_space<vmem>>, vector<1x1x16xf32>,
        %mul3A_422 = arith.constant 2 : i32
        %mul3A_423 = arith.muli %scan3A_381, %mul3A_422 : i32
        %add3A_424 = arith.constant 0 : i32
        %add3A_425 = arith.addi %mul3A_423, %add3A_424 : i32
        %get3A_426 = arith.constant 2 : i32
        %get3A_427 = arith.index_cast %get3A_426 : i32 to index
        %get3A_428 = arith.index_cast %add3A_425 : i32 to index
        %get3A_429 = arith.constant 32 : index
        %get3A_430 = tpu.vector_load %arg6[%get3A_427, %get3A_428, %get3A_429] {strides = array<i32>} : memref<4x50x128xf32, #tpu.memory_space<vmem>>, vector<1x1x16xf32>,
        %get3A_431 = vector.shape_cast %get3A_430 : vector<1x1x16xf32> to vector<16xf32>
        %mul3A_432 = arith.constant 2 : i32
        %mul3A_433 = arith.muli %scan3A_381, %mul3A_432 : i32
        %add3A_434 = arith.constant 0 : i32
        %add3A_435 = arith.addi %mul3A_433, %add3A_434 : i32
        %swap3A_436 = arith.constant 2 : i32
        %swap3A_437 = arith.index_cast %swap3A_436 : i32 to index
        %swap3A_438 = arith.index_cast %add3A_435 : i32 to index
        %swap3A_439 = arith.constant 32 : index
        %swap3A_440 = tpu.vector_load %arg7[%swap3A_437, %swap3A_438, %swap3A_439] {strides = array<i32>} : memref<4x50x64xf32, #tpu.memory_space<vmem>>, vector<1x1x16xf32>,
        %swap3A_441 = vector.shape_cast %swap3A_440 : vector<1x1x16xf32> to vector<16xf32>
        %swap3A_442 = vector.shape_cast %get3A_431 : vector<16xf32> to vector<1x1x16xf32>
        tpu.vector_store %arg7[%swap3A_437, %swap3A_438, %swap3A_439], %swap3A_442 {strides = array<i32>} : memref<4x50x64xf32, #tpu.memory_space<vmem>>, vector<1x1x16xf32>,
        %mul3A_443 = arith.constant 2 : i32
        %mul3A_444 = arith.muli %scan3A_381, %mul3A_443 : i32
        %add3A_445 = arith.constant 0 : i32
        %add3A_446 = arith.addi %mul3A_444, %add3A_445 : i32
        %get3A_447 = arith.constant 2 : i32
        %get3A_448 = arith.index_cast %get3A_447 : i32 to index
        %get3A_449 = arith.index_cast %add3A_446 : i32 to index
        %get3A_450 = arith.constant 48 : index
        %get3A_451 = tpu.vector_load %arg6[%get3A_448, %get3A_449, %get3A_450] {strides = array<i32>} : memref<4x50x128xf32, #tpu.memory_space<vmem>>, vector<1x1x16xf32>,
        %get3A_452 = vector.shape_cast %get3A_451 : vector<1x1x16xf32> to vector<16xf32>
        %mul3A_453 = arith.constant 2 : i32
        %mul3A_454 = arith.muli %scan3A_381, %mul3A_453 : i32
        %add3A_455 = arith.constant 0 : i32
        %add3A_456 = arith.addi %mul3A_454, %add3A_455 : i32
        %swap3A_457 = arith.constant 2 : i32
        %swap3A_458 = arith.index_cast %swap3A_457 : i32 to index
        %swap3A_459 = arith.index_cast %add3A_456 : i32 to index
        %swap3A_460 = arith.constant 48 : index
        %swap3A_461 = tpu.vector_load %arg7[%swap3A_458, %swap3A_459, %swap3A_460] {strides = array<i32>} : memref<4x50x64xf32, #tpu.memory_space<vmem>>, vector<1x1x16xf32>,
        %swap3A_462 = vector.shape_cast %swap3A_461 : vector<1x1x16xf32> to vector<16xf32>
        %swap3A_463 = vector.shape_cast %get3A_452 : vector<16xf32> to vector<1x1x16xf32>
        tpu.vector_store %arg7[%swap3A_458, %swap3A_459, %swap3A_460], %swap3A_463 {strides = array<i32>} : memref<4x50x64xf32, #tpu.memory_space<vmem>>, vector<1x1x16xf32>,
        %mul3A_464 = arith.constant 2 : i32
        %mul3A_465 = arith.muli %scan3A_381, %mul3A_464 : i32
        %add3A_466 = arith.constant 1 : i32
        %add3A_467 = arith.addi %mul3A_465, %add3A_466 : i32
        %get3A_468 = arith.constant 2 : i32
        %get3A_469 = arith.index_cast %get3A_468 : i32 to index
        %get3A_470 = arith.index_cast %add3A_467 : i32 to index
        %get3A_471 = arith.constant 0 : index
        %get3A_472 = tpu.vector_load %arg6[%get3A_469, %get3A_470, %get3A_471] {strides = array<i32>} : memref<4x50x128xf32, #tpu.memory_space<vmem>>, vector<1x1x16xf32>,
        %get3A_473 = vector.shape_cast %get3A_472 : vector<1x1x16xf32> to vector<16xf32>
        %mul3A_474 = arith.constant 2 : i32
        %mul3A_475 = arith.muli %scan3A_381, %mul3A_474 : i32
        %add3A_476 = arith.constant 1 : i32
        %add3A_477 = arith.addi %mul3A_475, %add3A_476 : i32
        %swap3A_478 = arith.constant 2 : i32
        %swap3A_479 = arith.index_cast %swap3A_478 : i32 to index
        %swap3A_480 = arith.index_cast %add3A_477 : i32 to index
        %swap3A_481 = arith.constant 0 : index
        %swap3A_482 = tpu.vector_load %arg7[%swap3A_479, %swap3A_480, %swap3A_481] {strides = array<i32>} : memref<4x50x64xf32, #tpu.memory_space<vmem>>, vector<1x1x16xf32>,
        %swap3A_483 = vector.shape_cast %swap3A_482 : vector<1x1x16xf32> to vector<16xf32>
        %swap3A_484 = vector.shape_cast %get3A_473 : vector<16xf32> to vector<1x1x16xf32>
        tpu.vector_store %arg7[%swap3A_479, %swap3A_480, %swap3A_481], %swap3A_484 {strides = array<i32>} : memref<4x50x64xf32, #tpu.memory_space<vmem>>, vector<1x1x16xf32>,
        %mul3A_485 = arith.constant 2 : i32
        %mul3A_486 = arith.muli %scan3A_381, %mul3A_485 : i32
        %add3A_487 = arith.constant 1 : i32
        %add3A_488 = arith.addi %mul3A_486, %add3A_487 : i32
        %get3A_489 = arith.constant 2 : i32
        %get3A_490 = arith.index_cast %get3A_489 : i32 to index
        %get3A_491 = arith.index_cast %add3A_488 : i32 to index
        %get3A_492 = arith.constant 16 : index
        %get3A_493 = tpu.vector_load %arg6[%get3A_490, %get3A_491, %get3A_492] {strides = array<i32>} : memref<4x50x128xf32, #tpu.memory_space<vmem>>, vector<1x1x16xf32>,
        %get3A_494 = vector.shape_cast %get3A_493 : vector<1x1x16xf32> to vector<16xf32>
        %mul3A_495 = arith.constant 2 : i32
        %mul3A_496 = arith.muli %scan3A_381, %mul3A_495 : i32
        %add3A_497 = arith.constant 1 : i32
        %add3A_498 = arith.addi %mul3A_496, %add3A_497 : i32
        %swap3A_499 = arith.constant 2 : i32
        %swap3A_500 = arith.index_cast %swap3A_499 : i32 to index
        %swap3A_501 = arith.index_cast %add3A_498 : i32 to index
        %swap3A_502 = arith.constant 16 : index
        %swap3A_503 = tpu.vector_load %arg7[%swap3A_500, %swap3A_501, %swap3A_502] {strides = array<i32>} : memref<4x50x64xf32, #tpu.memory_space<vmem>>, vector<1x1x16xf32>,
        %swap3A_504 = vector.shape_cast %swap3A_503 : vector<1x1x16xf32> to vector<16xf32>
        %swap3A_505 = vector.shape_cast %get3A_494 : vector<16xf32> to vector<1x1x16xf32>
        tpu.vector_store %arg7[%swap3A_500, %swap3A_501, %swap3A_502], %swap3A_505 {strides = array<i32>} : memref<4x50x64xf32, #tpu.memory_space<vmem>>, vector<1x1x16xf32>,
        %mul3A_506 = arith.constant 2 : i32
        %mul3A_507 = arith.muli %scan3A_381, %mul3A_506 : i32
        %add3A_508 = arith.constant 1 : i32
        %add3A_509 = arith.addi %mul3A_507, %add3A_508 : i32
        %get3A_510 = arith.constant 2 : i32
        %get3A_511 = arith.index_cast %get3A_510 : i32 to index
        %get3A_512 = arith.index_cast %add3A_509 : i32 to index
        %get3A_513 = arith.constant 32 : index
        %get3A_514 = tpu.vector_load %arg6[%get3A_511, %get3A_512, %get3A_513] {strides = array<i32>} : memref<4x50x128xf32, #tpu.memory_space<vmem>>, vector<1x1x16xf32>,
        %get3A_515 = vector.shape_cast %get3A_514 : vector<1x1x16xf32> to vector<16xf32>
        %mul3A_516 = arith.constant 2 : i32
        %mul3A_517 = arith.muli %scan3A_381, %mul3A_516 : i32
        %add3A_518 = arith.constant 1 : i32
        %add3A_519 = arith.addi %mul3A_517, %add3A_518 : i32
        %swap3A_520 = arith.constant 2 : i32
        %swap3A_521 = arith.index_cast %swap3A_520 : i32 to index
        %swap3A_522 = arith.index_cast %add3A_519 : i32 to index
        %swap3A_523 = arith.constant 32 : index
        %swap3A_524 = tpu.vector_load %arg7[%swap3A_521, %swap3A_522, %swap3A_523] {strides = array<i32>} : memref<4x50x64xf32, #tpu.memory_space<vmem>>, vector<1x1x16xf32>,
        %swap3A_525 = vector.shape_cast %swap3A_524 : vector<1x1x16xf32> to vector<16xf32>
        %swap3A_526 = vector.shape_cast %get3A_515 : vector<16xf32> to vector<1x1x16xf32>
        tpu.vector_store %arg7[%swap3A_521, %swap3A_522, %swap3A_523], %swap3A_526 {strides = array<i32>} : memref<4x50x64xf32, #tpu.memory_space<vmem>>, vector<1x1x16xf32>,
        %mul3A_527 = arith.constant 2 : i32
        %mul3A_528 = arith.muli %scan3A_381, %mul3A_527 : i32
        %add3A_529 = arith.constant 1 : i32
        %add3A_530 = arith.addi %mul3A_528, %add3A_529 : i32
        %get3A_531 = arith.constant 2 : i32
        %get3A_532 = arith.index_cast %get3A_531 : i32 to index
        %get3A_533 = arith.index_cast %add3A_530 : i32 to index
        %get3A_534 = arith.constant 48 : index
        %get3A_535 = tpu.vector_load %arg6[%get3A_532, %get3A_533, %get3A_534] {strides = array<i32>} : memref<4x50x128xf32, #tpu.memory_space<vmem>>, vector<1x1x16xf32>,
        %get3A_536 = vector.shape_cast %get3A_535 : vector<1x1x16xf32> to vector<16xf32>
        %mul3A_537 = arith.constant 2 : i32
        %mul3A_538 = arith.muli %scan3A_381, %mul3A_537 : i32
        %add3A_539 = arith.constant 1 : i32
        %add3A_540 = arith.addi %mul3A_538, %add3A_539 : i32
        %swap3A_541 = arith.constant 2 : i32
        %swap3A_542 = arith.index_cast %swap3A_541 : i32 to index
        %swap3A_543 = arith.index_cast %add3A_540 : i32 to index
        %swap3A_544 = arith.constant 48 : index
        %swap3A_545 = tpu.vector_load %arg7[%swap3A_542, %swap3A_543, %swap3A_544] {strides = array<i32>} : memref<4x50x64xf32, #tpu.memory_space<vmem>>, vector<1x1x16xf32>,
        %swap3A_546 = vector.shape_cast %swap3A_545 : vector<1x1x16xf32> to vector<16xf32>
        %swap3A_547 = vector.shape_cast %get3A_536 : vector<16xf32> to vector<1x1x16xf32>
        tpu.vector_store %arg7[%swap3A_542, %swap3A_543, %swap3A_544], %swap3A_547 {strides = array<i32>} : memref<4x50x64xf32, #tpu.memory_space<vmem>>, vector<1x1x16xf32>,
      }
      %scan3A_293 = arith.constant 25 : i32
      %add3A_294 = arith.constant 2 : i32
      %add3A_295 = arith.addi %mul3A_156, %add3A_294 : i32
      %add3A_296 = arith.addi %mul3A_2, %add3A_295 : i32
      %dma_start3A_297 = arith.constant 2 : i32
      %dma_start3A_298 = arith.constant 2 : i32
      %dma_start3A_299 = arith.constant 0 : i32
      %dma_start3A_300 = arith.constant 0 : i32
      %dma_start3A_301 = tpu.memref_slice %arg7[%dma_start3A_297, %dma_start3A_299, %dma_start3A_300] : memref<4x50x64xf32, #tpu.memory_space<vmem>> -> memref<1x50x64xf32, #tpu.memory_space<vmem>>
      %dma_start3A_302 = tpu.memref_squeeze %dma_start3A_301 : memref<1x50x64xf32, #tpu.memory_space<vmem>> -> memref<50x64xf32, #tpu.memory_space<vmem>>
      %dma_start3A_303 = arith.constant 0 : i32
      %dma_start3A_304 = arith.constant 0 : i32
      %dma_start3A_305 = tpu.memref_slice %arg4[%add3A_296, %dma_start3A_303, %dma_start3A_304] : memref<16384x50x64xf32, #tpu.memory_space<hbm>> -> memref<1x50x64xf32, #tpu.memory_space<hbm>>
      %dma_start3A_306 = tpu.memref_squeeze %dma_start3A_305 : memref<1x50x64xf32, #tpu.memory_space<hbm>> -> memref<50x64xf32, #tpu.memory_space<hbm>>
      %dma_start3A_307 = tpu.memref_slice %arg9[%dma_start3A_298] : memref<4x!tpu.dma_semaphore, #tpu.memory_space<semaphore_mem>> -> memref<1x!tpu.dma_semaphore, #tpu.memory_space<semaphore_mem>>
      %dma_start3A_308 = tpu.memref_squeeze %dma_start3A_307 : memref<1x!tpu.dma_semaphore, #tpu.memory_space<semaphore_mem>> -> memref<!tpu.dma_semaphore, #tpu.memory_space<semaphore_mem>>
      %dma_start3A_309 = arith.constant 0 : i32
      %dma_start3A_310 = arith.constant 0 : i32
      %dma_start3A_311 = tpu.memref_slice %arg4[%add3A_296, %dma_start3A_309, %dma_start3A_310] : memref<16384x50x64xf32, #tpu.memory_space<hbm>> -> memref<1x50x64xf32, #tpu.memory_space<hbm>>
      %dma_start3A_312 = tpu.memref_squeeze %dma_start3A_311 : memref<1x50x64xf32, #tpu.memory_space<hbm>> -> memref<50x64xf32, #tpu.memory_space<hbm>>
      %dma_start3A_313 = arith.constant 0 : i32
      %dma_start3A_314 = arith.constant 0 : i32
      %dma_start3A_315 = tpu.memref_slice %arg7[%dma_start3A_297, %dma_start3A_313, %dma_start3A_314] : memref<4x50x64xf32, #tpu.memory_space<vmem>> -> memref<1x50x64xf32, #tpu.memory_space<vmem>>
      %dma_start3A_316 = tpu.memref_squeeze %dma_start3A_315 : memref<1x50x64xf32, #tpu.memory_space<vmem>> -> memref<50x64xf32, #tpu.memory_space<vmem>>
      tpu.enqueue_dma source(%dma_start3A_316 : memref<50x64xf32, #tpu.memory_space<vmem>>) target(%dma_start3A_312 : memref<50x64xf32, #tpu.memory_space<hbm>>) target_semaphore(%dma_start3A_308 : memref<!tpu.dma_semaphore, #tpu.memory_space<semaphore_mem>>)
      %add3A_317 = arith.constant 1 : i32
      %add3A_318 = arith.addi %scan3A_154, %add3A_317 : i32
      %lt3A_319 = arith.constant 128 : i32
      %lt3A_320 = arith.cmpi slt, %add3A_318, %lt3A_319 : i32
      %convert_element_type3A_321 = arith.extui %lt3A_320 : i1 to i32
      %cond3A_322 = arith.constant 0 : i32
      %cond3A_323 = arith.cmpi ne, %convert_element_type3A_321, %cond3A_322 : i32
      scf.if %cond3A_323 {
        %add3A_381 = arith.constant 4 : i32
        %add3A_382 = arith.addi %mul3A_156, %add3A_381 : i32
        %add3A_383 = arith.constant 2 : i32
        %add3A_384 = arith.addi %add3A_382, %add3A_383 : i32
        %dma_start3A_385 = arith.constant 2 : i32
        %dma_start3A_386 = arith.constant 2 : i32
        %dma_start3A_387 = arith.constant 0 : i32
        %dma_start3A_388 = arith.constant 0 : i32
        %dma_start3A_389 = tpu.memref_slice %arg6[%dma_start3A_385, %dma_start3A_387, %dma_start3A_388] : memref<4x50x128xf32, #tpu.memory_space<vmem>> -> memref<1x50x128xf32, #tpu.memory_space<vmem>>
        %dma_start3A_390 = tpu.memref_squeeze %dma_start3A_389 : memref<1x50x128xf32, #tpu.memory_space<vmem>> -> memref<50x128xf32, #tpu.memory_space<vmem>>
        %dma_start3A_391 = arith.constant 0 : i32
        %dma_start3A_392 = tpu.memref_slice %arg5[%add3A_384, %dma_start3A_391] : memref<512x50xi32, #tpu.memory_space<vmem>> -> memref<1x50xi32, #tpu.memory_space<vmem>>
        %dma_start3A_393 = tpu.memref_squeeze %dma_start3A_392 : memref<1x50xi32, #tpu.memory_space<vmem>> -> memref<50xi32, #tpu.memory_space<vmem>>
        %dma_start3A_394 = arith.constant 0 : i32
        %dma_start3A_395 = arith.constant 0 : i32
        %dma_start3A_396 = tpu.memref_slice %arg3[%dma_start3A_394, %dma_start3A_395] : memref<1000000x128xf32, #tpu.memory_space<hbm>> -> memref<1000000x128xf32, #tpu.memory_space<hbm>>
        %dma_start3A_397 = tpu.memref_slice %arg8[%dma_start3A_386] : memref<4x!tpu.dma_semaphore, #tpu.memory_space<semaphore_mem>> -> memref<1x!tpu.dma_semaphore, #tpu.memory_space<semaphore_mem>>
        %dma_start3A_398 = tpu.memref_squeeze %dma_start3A_397 : memref<1x!tpu.dma_semaphore, #tpu.memory_space<semaphore_mem>> -> memref<!tpu.dma_semaphore, #tpu.memory_space<semaphore_mem>>
        tpu.enqueue_indirect_dma source(%dma_start3A_396 : memref<1000000x128xf32, #tpu.memory_space<hbm>>) target(%dma_start3A_390 : memref<50x128xf32, #tpu.memory_space<vmem>>) offsets(%dma_start3A_393 : memref<50xi32, #tpu.memory_space<vmem>>) semaphore(%dma_start3A_398 : memref<!tpu.dma_semaphore, #tpu.memory_space<semaphore_mem>>)
      } else {
      }
      %add3A_324 = arith.constant 3 : i32
      %add3A_325 = arith.addi %mul3A_156, %add3A_324 : i32
      %dma_wait3A_326 = arith.constant 3 : i32
      %dma_wait3A_327 = arith.constant 3 : i32
      %dma_wait3A_328 = arith.constant 0 : i32
      %dma_wait3A_329 = arith.constant 0 : i32
      %dma_wait3A_330 = tpu.memref_slice %arg6[%dma_wait3A_326, %dma_wait3A_328, %dma_wait3A_329] : memref<4x50x128xf32, #tpu.memory_space<vmem>> -> memref<1x50x128xf32, #tpu.memory_space<vmem>>
      %dma_wait3A_331 = tpu.memref_squeeze %dma_wait3A_330 : memref<1x50x128xf32, #tpu.memory_space<vmem>> -> memref<50x128xf32, #tpu.memory_space<vmem>>
      %dma_wait3A_332 = arith.constant 0 : i32
      %dma_wait3A_333 = tpu.memref_slice %arg5[%add3A_325, %dma_wait3A_332] : memref<512x50xi32, #tpu.memory_space<vmem>> -> memref<1x50xi32, #tpu.memory_space<vmem>>
      %dma_wait3A_334 = tpu.memref_squeeze %dma_wait3A_333 : memref<1x50xi32, #tpu.memory_space<vmem>> -> memref<50xi32, #tpu.memory_space<vmem>>
      %dma_wait3A_335 = arith.constant 0 : i32
      %dma_wait3A_336 = arith.constant 0 : i32
      %dma_wait3A_337 = tpu.memref_slice %arg3[%dma_wait3A_335, %dma_wait3A_336] : memref<1000000x128xf32, #tpu.memory_space<hbm>> -> memref<1000000x128xf32, #tpu.memory_space<hbm>>
      %dma_wait3A_338 = tpu.memref_slice %arg8[%dma_wait3A_327] : memref<4x!tpu.dma_semaphore, #tpu.memory_space<semaphore_mem>> -> memref<1x!tpu.dma_semaphore, #tpu.memory_space<semaphore_mem>>
      %dma_wait3A_339 = tpu.memref_squeeze %dma_wait3A_338 : memref<1x!tpu.dma_semaphore, #tpu.memory_space<semaphore_mem>> -> memref<!tpu.dma_semaphore, #tpu.memory_space<semaphore_mem>>
      tpu.wait_indirect_dma semaphore(%dma_wait3A_339 : memref<!tpu.dma_semaphore, #tpu.memory_space<semaphore_mem>>) src(%dma_wait3A_337 : memref<1000000x128xf32, #tpu.memory_space<hbm>>) dst(%dma_wait3A_331 : memref<50x128xf32, #tpu.memory_space<vmem>>)
      %gt3A_340 = arith.constant 0 : i32
      %gt3A_341 = arith.cmpi sgt, %scan3A_154, %gt3A_340 : i32
      %convert_element_type3A_342 = arith.extui %gt3A_341 : i1 to i32
      %cond3A_343 = arith.constant 0 : i32
      %cond3A_344 = arith.cmpi ne, %convert_element_type3A_342, %cond3A_343 : i32
      scf.if %cond3A_344 {
        %sub3A = arith.constant 4 : i32
        %sub3A_381 = arith.subi %mul3A_156, %sub3A : i32
        %add3A_382 = arith.constant 3 : i32
        %add3A_383 = arith.addi %sub3A_381, %add3A_382 : i32
        %add3A_384 = arith.addi %mul3A_2, %add3A_383 : i32
        %dma_wait3A_385 = arith.constant 3 : i32
        %dma_wait3A_386 = arith.constant 3 : i32
        %dma_wait3A_387 = arith.constant 0 : i32
        %dma_wait3A_388 = arith.constant 0 : i32
        %dma_wait3A_389 = tpu.memref_slice %arg7[%dma_wait3A_385, %dma_wait3A_387, %dma_wait3A_388] : memref<4x50x64xf32, #tpu.memory_space<vmem>> -> memref<1x50x64xf32, #tpu.memory_space<vmem>>
        %dma_wait3A_390 = tpu.memref_squeeze %dma_wait3A_389 : memref<1x50x64xf32, #tpu.memory_space<vmem>> -> memref<50x64xf32, #tpu.memory_space<vmem>>
        %dma_wait3A_391 = arith.constant 0 : i32
        %dma_wait3A_392 = arith.constant 0 : i32
        %dma_wait3A_393 = tpu.memref_slice %arg4[%add3A_384, %dma_wait3A_391, %dma_wait3A_392] : memref<16384x50x64xf32, #tpu.memory_space<hbm>> -> memref<1x50x64xf32, #tpu.memory_space<hbm>>
        %dma_wait3A_394 = tpu.memref_squeeze %dma_wait3A_393 : memref<1x50x64xf32, #tpu.memory_space<hbm>> -> memref<50x64xf32, #tpu.memory_space<hbm>>
        %dma_wait3A_395 = tpu.memref_slice %arg9[%dma_wait3A_386] : memref<4x!tpu.dma_semaphore, #tpu.memory_space<semaphore_mem>> -> memref<1x!tpu.dma_semaphore, #tpu.memory_space<semaphore_mem>>
        %dma_wait3A_396 = tpu.memref_squeeze %dma_wait3A_395 : memref<1x!tpu.dma_semaphore, #tpu.memory_space<semaphore_mem>> -> memref<!tpu.dma_semaphore, #tpu.memory_space<semaphore_mem>>
        %dma_wait3A_397 = arith.constant 0 : i32
        %dma_wait3A_398 = arith.constant 0 : i32
        %dma_wait3A_399 = tpu.memref_slice %arg4[%add3A_384, %dma_wait3A_397, %dma_wait3A_398] : memref<16384x50x64xf32, #tpu.memory_space<hbm>> -> memref<1x50x64xf32, #tpu.memory_space<hbm>>
        %dma_wait3A_400 = tpu.memref_squeeze %dma_wait3A_399 : memref<1x50x64xf32, #tpu.memory_space<hbm>> -> memref<50x64xf32, #tpu.memory_space<hbm>>
        %dma_wait3A_401 = arith.constant 0 : i32
        %dma_wait3A_402 = arith.constant 0 : i32
        %dma_wait3A_403 = tpu.memref_slice %arg7[%dma_wait3A_385, %dma_wait3A_401, %dma_wait3A_402] : memref<4x50x64xf32, #tpu.memory_space<vmem>> -> memref<1x50x64xf32, #tpu.memory_space<vmem>>
        %dma_wait3A_404 = tpu.memref_squeeze %dma_wait3A_403 : memref<1x50x64xf32, #tpu.memory_space<vmem>> -> memref<50x64xf32, #tpu.memory_space<vmem>>
        tpu.wait_dma2 semaphore(%dma_wait3A_396 : memref<!tpu.dma_semaphore, #tpu.memory_space<semaphore_mem>>) src(%dma_wait3A_404 : memref<50x64xf32, #tpu.memory_space<vmem>>) dst(%dma_wait3A_400 : memref<50x64xf32, #tpu.memory_space<hbm>>)
      } else {
      }
      %scan3A_345 = arith.constant 0 : i32
      %scan3A_346 = arith.constant 0 : i32
      %scan3A_347 = arith.constant 25 : i32
      %scan3A_348 = arith.addi %scan3A_346, %scan3A_347 : i32
      %scan3A_349 = arith.constant 1 : i32
      scf.for %scan3A_381 = %scan3A_346 to %scan3A_348 step %scan3A_349  : i32 {
        %mul3A_382 = arith.constant 2 : i32
        %mul3A_383 = arith.muli %scan3A_381, %mul3A_382 : i32
        %add3A_384 = arith.constant 0 : i32
        %add3A_385 = arith.addi %mul3A_383, %add3A_384 : i32
        %get3A = arith.constant 3 : i32
        %get3A_386 = arith.index_cast %get3A : i32 to index
        %get3A_387 = arith.index_cast %add3A_385 : i32 to index
        %get3A_388 = arith.constant 0 : index
        %get3A_389 = tpu.vector_load %arg6[%get3A_386, %get3A_387, %get3A_388] {strides = array<i32>} : memref<4x50x128xf32, #tpu.memory_space<vmem>>, vector<1x1x16xf32>,
        %get3A_390 = vector.shape_cast %get3A_389 : vector<1x1x16xf32> to vector<16xf32>
        %mul3A_391 = arith.constant 2 : i32
        %mul3A_392 = arith.muli %scan3A_381, %mul3A_391 : i32
        %add3A_393 = arith.constant 0 : i32
        %add3A_394 = arith.addi %mul3A_392, %add3A_393 : i32
        %swap3A = arith.constant 3 : i32
        %swap3A_395 = arith.index_cast %swap3A : i32 to index
        %swap3A_396 = arith.index_cast %add3A_394 : i32 to index
        %swap3A_397 = arith.constant 0 : index
        %swap3A_398 = tpu.vector_load %arg7[%swap3A_395, %swap3A_396, %swap3A_397] {strides = array<i32>} : memref<4x50x64xf32, #tpu.memory_space<vmem>>, vector<1x1x16xf32>,
        %swap3A_399 = vector.shape_cast %swap3A_398 : vector<1x1x16xf32> to vector<16xf32>
        %swap3A_400 = vector.shape_cast %get3A_390 : vector<16xf32> to vector<1x1x16xf32>
        tpu.vector_store %arg7[%swap3A_395, %swap3A_396, %swap3A_397], %swap3A_400 {strides = array<i32>} : memref<4x50x64xf32, #tpu.memory_space<vmem>>, vector<1x1x16xf32>,
        %mul3A_401 = arith.constant 2 : i32
        %mul3A_402 = arith.muli %scan3A_381, %mul3A_401 : i32
        %add3A_403 = arith.constant 0 : i32
        %add3A_404 = arith.addi %mul3A_402, %add3A_403 : i32
        %get3A_405 = arith.constant 3 : i32
        %get3A_406 = arith.index_cast %get3A_405 : i32 to index
        %get3A_407 = arith.index_cast %add3A_404 : i32 to index
        %get3A_408 = arith.constant 16 : index
        %get3A_409 = tpu.vector_load %arg6[%get3A_406, %get3A_407, %get3A_408] {strides = array<i32>} : memref<4x50x128xf32, #tpu.memory_space<vmem>>, vector<1x1x16xf32>,
        %get3A_410 = vector.shape_cast %get3A_409 : vector<1x1x16xf32> to vector<16xf32>
        %mul3A_411 = arith.constant 2 : i32
        %mul3A_412 = arith.muli %scan3A_381, %mul3A_411 : i32
        %add3A_413 = arith.constant 0 : i32
        %add3A_414 = arith.addi %mul3A_412, %add3A_413 : i32
        %swap3A_415 = arith.constant 3 : i32
        %swap3A_416 = arith.index_cast %swap3A_415 : i32 to index
        %swap3A_417 = arith.index_cast %add3A_414 : i32 to index
        %swap3A_418 = arith.constant 16 : index
        %swap3A_419 = tpu.vector_load %arg7[%swap3A_416, %swap3A_417, %swap3A_418] {strides = array<i32>} : memref<4x50x64xf32, #tpu.memory_space<vmem>>, vector<1x1x16xf32>,
        %swap3A_420 = vector.shape_cast %swap3A_419 : vector<1x1x16xf32> to vector<16xf32>
        %swap3A_421 = vector.shape_cast %get3A_410 : vector<16xf32> to vector<1x1x16xf32>
        tpu.vector_store %arg7[%swap3A_416, %swap3A_417, %swap3A_418], %swap3A_421 {strides = array<i32>} : memref<4x50x64xf32, #tpu.memory_space<vmem>>, vector<1x1x16xf32>,
        %mul3A_422 = arith.constant 2 : i32
        %mul3A_423 = arith.muli %scan3A_381, %mul3A_422 : i32
        %add3A_424 = arith.constant 0 : i32
        %add3A_425 = arith.addi %mul3A_423, %add3A_424 : i32
        %get3A_426 = arith.constant 3 : i32
        %get3A_427 = arith.index_cast %get3A_426 : i32 to index
        %get3A_428 = arith.index_cast %add3A_425 : i32 to index
        %get3A_429 = arith.constant 32 : index
        %get3A_430 = tpu.vector_load %arg6[%get3A_427, %get3A_428, %get3A_429] {strides = array<i32>} : memref<4x50x128xf32, #tpu.memory_space<vmem>>, vector<1x1x16xf32>,
        %get3A_431 = vector.shape_cast %get3A_430 : vector<1x1x16xf32> to vector<16xf32>
        %mul3A_432 = arith.constant 2 : i32
        %mul3A_433 = arith.muli %scan3A_381, %mul3A_432 : i32
        %add3A_434 = arith.constant 0 : i32
        %add3A_435 = arith.addi %mul3A_433, %add3A_434 : i32
        %swap3A_436 = arith.constant 3 : i32
        %swap3A_437 = arith.index_cast %swap3A_436 : i32 to index
        %swap3A_438 = arith.index_cast %add3A_435 : i32 to index
        %swap3A_439 = arith.constant 32 : index
        %swap3A_440 = tpu.vector_load %arg7[%swap3A_437, %swap3A_438, %swap3A_439] {strides = array<i32>} : memref<4x50x64xf32, #tpu.memory_space<vmem>>, vector<1x1x16xf32>,
        %swap3A_441 = vector.shape_cast %swap3A_440 : vector<1x1x16xf32> to vector<16xf32>
        %swap3A_442 = vector.shape_cast %get3A_431 : vector<16xf32> to vector<1x1x16xf32>
        tpu.vector_store %arg7[%swap3A_437, %swap3A_438, %swap3A_439], %swap3A_442 {strides = array<i32>} : memref<4x50x64xf32, #tpu.memory_space<vmem>>, vector<1x1x16xf32>,
        %mul3A_443 = arith.constant 2 : i32
        %mul3A_444 = arith.muli %scan3A_381, %mul3A_443 : i32
        %add3A_445 = arith.constant 0 : i32
        %add3A_446 = arith.addi %mul3A_444, %add3A_445 : i32
        %get3A_447 = arith.constant 3 : i32
        %get3A_448 = arith.index_cast %get3A_447 : i32 to index
        %get3A_449 = arith.index_cast %add3A_446 : i32 to index
        %get3A_450 = arith.constant 48 : index
        %get3A_451 = tpu.vector_load %arg6[%get3A_448, %get3A_449, %get3A_450] {strides = array<i32>} : memref<4x50x128xf32, #tpu.memory_space<vmem>>, vector<1x1x16xf32>,
        %get3A_452 = vector.shape_cast %get3A_451 : vector<1x1x16xf32> to vector<16xf32>
        %mul3A_453 = arith.constant 2 : i32
        %mul3A_454 = arith.muli %scan3A_381, %mul3A_453 : i32
        %add3A_455 = arith.constant 0 : i32
        %add3A_456 = arith.addi %mul3A_454, %add3A_455 : i32
        %swap3A_457 = arith.constant 3 : i32
        %swap3A_458 = arith.index_cast %swap3A_457 : i32 to index
        %swap3A_459 = arith.index_cast %add3A_456 : i32 to index
        %swap3A_460 = arith.constant 48 : index
        %swap3A_461 = tpu.vector_load %arg7[%swap3A_458, %swap3A_459, %swap3A_460] {strides = array<i32>} : memref<4x50x64xf32, #tpu.memory_space<vmem>>, vector<1x1x16xf32>,
        %swap3A_462 = vector.shape_cast %swap3A_461 : vector<1x1x16xf32> to vector<16xf32>
        %swap3A_463 = vector.shape_cast %get3A_452 : vector<16xf32> to vector<1x1x16xf32>
        tpu.vector_store %arg7[%swap3A_458, %swap3A_459, %swap3A_460], %swap3A_463 {strides = array<i32>} : memref<4x50x64xf32, #tpu.memory_space<vmem>>, vector<1x1x16xf32>,
        %mul3A_464 = arith.constant 2 : i32
        %mul3A_465 = arith.muli %scan3A_381, %mul3A_464 : i32
        %add3A_466 = arith.constant 1 : i32
        %add3A_467 = arith.addi %mul3A_465, %add3A_466 : i32
        %get3A_468 = arith.constant 3 : i32
        %get3A_469 = arith.index_cast %get3A_468 : i32 to index
        %get3A_470 = arith.index_cast %add3A_467 : i32 to index
        %get3A_471 = arith.constant 0 : index
        %get3A_472 = tpu.vector_load %arg6[%get3A_469, %get3A_470, %get3A_471] {strides = array<i32>} : memref<4x50x128xf32, #tpu.memory_space<vmem>>, vector<1x1x16xf32>,
        %get3A_473 = vector.shape_cast %get3A_472 : vector<1x1x16xf32> to vector<16xf32>
        %mul3A_474 = arith.constant 2 : i32
        %mul3A_475 = arith.muli %scan3A_381, %mul3A_474 : i32
        %add3A_476 = arith.constant 1 : i32
        %add3A_477 = arith.addi %mul3A_475, %add3A_476 : i32
        %swap3A_478 = arith.constant 3 : i32
        %swap3A_479 = arith.index_cast %swap3A_478 : i32 to index
        %swap3A_480 = arith.index_cast %add3A_477 : i32 to index
        %swap3A_481 = arith.constant 0 : index
        %swap3A_482 = tpu.vector_load %arg7[%swap3A_479, %swap3A_480, %swap3A_481] {strides = array<i32>} : memref<4x50x64xf32, #tpu.memory_space<vmem>>, vector<1x1x16xf32>,
        %swap3A_483 = vector.shape_cast %swap3A_482 : vector<1x1x16xf32> to vector<16xf32>
        %swap3A_484 = vector.shape_cast %get3A_473 : vector<16xf32> to vector<1x1x16xf32>
        tpu.vector_store %arg7[%swap3A_479, %swap3A_480, %swap3A_481], %swap3A_484 {strides = array<i32>} : memref<4x50x64xf32, #tpu.memory_space<vmem>>, vector<1x1x16xf32>,
        %mul3A_485 = arith.constant 2 : i32
        %mul3A_486 = arith.muli %scan3A_381, %mul3A_485 : i32
        %add3A_487 = arith.constant 1 : i32
        %add3A_488 = arith.addi %mul3A_486, %add3A_487 : i32
        %get3A_489 = arith.constant 3 : i32
        %get3A_490 = arith.index_cast %get3A_489 : i32 to index
        %get3A_491 = arith.index_cast %add3A_488 : i32 to index
        %get3A_492 = arith.constant 16 : index
        %get3A_493 = tpu.vector_load %arg6[%get3A_490, %get3A_491, %get3A_492] {strides = array<i32>} : memref<4x50x128xf32, #tpu.memory_space<vmem>>, vector<1x1x16xf32>,
        %get3A_494 = vector.shape_cast %get3A_493 : vector<1x1x16xf32> to vector<16xf32>
        %mul3A_495 = arith.constant 2 : i32
        %mul3A_496 = arith.muli %scan3A_381, %mul3A_495 : i32
        %add3A_497 = arith.constant 1 : i32
        %add3A_498 = arith.addi %mul3A_496, %add3A_497 : i32
        %swap3A_499 = arith.constant 3 : i32
        %swap3A_500 = arith.index_cast %swap3A_499 : i32 to index
        %swap3A_501 = arith.index_cast %add3A_498 : i32 to index
        %swap3A_502 = arith.constant 16 : index
        %swap3A_503 = tpu.vector_load %arg7[%swap3A_500, %swap3A_501, %swap3A_502] {strides = array<i32>} : memref<4x50x64xf32, #tpu.memory_space<vmem>>, vector<1x1x16xf32>,
        %swap3A_504 = vector.shape_cast %swap3A_503 : vector<1x1x16xf32> to vector<16xf32>
        %swap3A_505 = vector.shape_cast %get3A_494 : vector<16xf32> to vector<1x1x16xf32>
        tpu.vector_store %arg7[%swap3A_500, %swap3A_501, %swap3A_502], %swap3A_505 {strides = array<i32>} : memref<4x50x64xf32, #tpu.memory_space<vmem>>, vector<1x1x16xf32>,
        %mul3A_506 = arith.constant 2 : i32
        %mul3A_507 = arith.muli %scan3A_381, %mul3A_506 : i32
        %add3A_508 = arith.constant 1 : i32
        %add3A_509 = arith.addi %mul3A_507, %add3A_508 : i32
        %get3A_510 = arith.constant 3 : i32
        %get3A_511 = arith.index_cast %get3A_510 : i32 to index
        %get3A_512 = arith.index_cast %add3A_509 : i32 to index
        %get3A_513 = arith.constant 32 : index
        %get3A_514 = tpu.vector_load %arg6[%get3A_511, %get3A_512, %get3A_513] {strides = array<i32>} : memref<4x50x128xf32, #tpu.memory_space<vmem>>, vector<1x1x16xf32>,
        %get3A_515 = vector.shape_cast %get3A_514 : vector<1x1x16xf32> to vector<16xf32>
        %mul3A_516 = arith.constant 2 : i32
        %mul3A_517 = arith.muli %scan3A_381, %mul3A_516 : i32
        %add3A_518 = arith.constant 1 : i32
        %add3A_519 = arith.addi %mul3A_517, %add3A_518 : i32
        %swap3A_520 = arith.constant 3 : i32
        %swap3A_521 = arith.index_cast %swap3A_520 : i32 to index
        %swap3A_522 = arith.index_cast %add3A_519 : i32 to index
        %swap3A_523 = arith.constant 32 : index
        %swap3A_524 = tpu.vector_load %arg7[%swap3A_521, %swap3A_522, %swap3A_523] {strides = array<i32>} : memref<4x50x64xf32, #tpu.memory_space<vmem>>, vector<1x1x16xf32>,
        %swap3A_525 = vector.shape_cast %swap3A_524 : vector<1x1x16xf32> to vector<16xf32>
        %swap3A_526 = vector.shape_cast %get3A_515 : vector<16xf32> to vector<1x1x16xf32>
        tpu.vector_store %arg7[%swap3A_521, %swap3A_522, %swap3A_523], %swap3A_526 {strides = array<i32>} : memref<4x50x64xf32, #tpu.memory_space<vmem>>, vector<1x1x16xf32>,
        %mul3A_527 = arith.constant 2 : i32
        %mul3A_528 = arith.muli %scan3A_381, %mul3A_527 : i32
        %add3A_529 = arith.constant 1 : i32
        %add3A_530 = arith.addi %mul3A_528, %add3A_529 : i32
        %get3A_531 = arith.constant 3 : i32
        %get3A_532 = arith.index_cast %get3A_531 : i32 to index
        %get3A_533 = arith.index_cast %add3A_530 : i32 to index
        %get3A_534 = arith.constant 48 : index
        %get3A_535 = tpu.vector_load %arg6[%get3A_532, %get3A_533, %get3A_534] {strides = array<i32>} : memref<4x50x128xf32, #tpu.memory_space<vmem>>, vector<1x1x16xf32>,
        %get3A_536 = vector.shape_cast %get3A_535 : vector<1x1x16xf32> to vector<16xf32>
        %mul3A_537 = arith.constant 2 : i32
        %mul3A_538 = arith.muli %scan3A_381, %mul3A_537 : i32
        %add3A_539 = arith.constant 1 : i32
        %add3A_540 = arith.addi %mul3A_538, %add3A_539 : i32
        %swap3A_541 = arith.constant 3 : i32
        %swap3A_542 = arith.index_cast %swap3A_541 : i32 to index
        %swap3A_543 = arith.index_cast %add3A_540 : i32 to index
        %swap3A_544 = arith.constant 48 : index
        %swap3A_545 = tpu.vector_load %arg7[%swap3A_542, %swap3A_543, %swap3A_544] {strides = array<i32>} : memref<4x50x64xf32, #tpu.memory_space<vmem>>, vector<1x1x16xf32>,
        %swap3A_546 = vector.shape_cast %swap3A_545 : vector<1x1x16xf32> to vector<16xf32>
        %swap3A_547 = vector.shape_cast %get3A_536 : vector<16xf32> to vector<1x1x16xf32>
        tpu.vector_store %arg7[%swap3A_542, %swap3A_543, %swap3A_544], %swap3A_547 {strides = array<i32>} : memref<4x50x64xf32, #tpu.memory_space<vmem>>, vector<1x1x16xf32>,
      }
      %scan3A_350 = arith.constant 25 : i32
      %add3A_351 = arith.constant 3 : i32
      %add3A_352 = arith.addi %mul3A_156, %add3A_351 : i32
      %add3A_353 = arith.addi %mul3A_2, %add3A_352 : i32
      %dma_start3A_354 = arith.constant 3 : i32
      %dma_start3A_355 = arith.constant 3 : i32
      %dma_start3A_356 = arith.constant 0 : i32
      %dma_start3A_357 = arith.constant 0 : i32
      %dma_start3A_358 = tpu.memref_slice %arg7[%dma_start3A_354, %dma_start3A_356, %dma_start3A_357] : memref<4x50x64xf32, #tpu.memory_space<vmem>> -> memref<1x50x64xf32, #tpu.memory_space<vmem>>
      %dma_start3A_359 = tpu.memref_squeeze %dma_start3A_358 : memref<1x50x64xf32, #tpu.memory_space<vmem>> -> memref<50x64xf32, #tpu.memory_space<vmem>>
      %dma_start3A_360 = arith.constant 0 : i32
      %dma_start3A_361 = arith.constant 0 : i32
      %dma_start3A_362 = tpu.memref_slice %arg4[%add3A_353, %dma_start3A_360, %dma_start3A_361] : memref<16384x50x64xf32, #tpu.memory_space<hbm>> -> memref<1x50x64xf32, #tpu.memory_space<hbm>>
      %dma_start3A_363 = tpu.memref_squeeze %dma_start3A_362 : memref<1x50x64xf32, #tpu.memory_space<hbm>> -> memref<50x64xf32, #tpu.memory_space<hbm>>
      %dma_start3A_364 = tpu.memref_slice %arg9[%dma_start3A_355] : memref<4x!tpu.dma_semaphore, #tpu.memory_space<semaphore_mem>> -> memref<1x!tpu.dma_semaphore, #tpu.memory_space<semaphore_mem>>
      %dma_start3A_365 = tpu.memref_squeeze %dma_start3A_364 : memref<1x!tpu.dma_semaphore, #tpu.memory_space<semaphore_mem>> -> memref<!tpu.dma_semaphore, #tpu.memory_space<semaphore_mem>>
      %dma_start3A_366 = arith.constant 0 : i32
      %dma_start3A_367 = arith.constant 0 : i32
      %dma_start3A_368 = tpu.memref_slice %arg4[%add3A_353, %dma_start3A_366, %dma_start3A_367] : memref<16384x50x64xf32, #tpu.memory_space<hbm>> -> memref<1x50x64xf32, #tpu.memory_space<hbm>>
      %dma_start3A_369 = tpu.memref_squeeze %dma_start3A_368 : memref<1x50x64xf32, #tpu.memory_space<hbm>> -> memref<50x64xf32, #tpu.memory_space<hbm>>
      %dma_start3A_370 = arith.constant 0 : i32
      %dma_start3A_371 = arith.constant 0 : i32
      %dma_start3A_372 = tpu.memref_slice %arg7[%dma_start3A_354, %dma_start3A_370, %dma_start3A_371] : memref<4x50x64xf32, #tpu.memory_space<vmem>> -> memref<1x50x64xf32, #tpu.memory_space<vmem>>
      %dma_start3A_373 = tpu.memref_squeeze %dma_start3A_372 : memref<1x50x64xf32, #tpu.memory_space<vmem>> -> memref<50x64xf32, #tpu.memory_space<vmem>>
      tpu.enqueue_dma source(%dma_start3A_373 : memref<50x64xf32, #tpu.memory_space<vmem>>) target(%dma_start3A_369 : memref<50x64xf32, #tpu.memory_space<hbm>>) target_semaphore(%dma_start3A_365 : memref<!tpu.dma_semaphore, #tpu.memory_space<semaphore_mem>>)
      %add3A_374 = arith.constant 1 : i32
      %add3A_375 = arith.addi %scan3A_154, %add3A_374 : i32
      %lt3A_376 = arith.constant 128 : i32
      %lt3A_377 = arith.cmpi slt, %add3A_375, %lt3A_376 : i32
      %convert_element_type3A_378 = arith.extui %lt3A_377 : i1 to i32
      %cond3A_379 = arith.constant 0 : i32
      %cond3A_380 = arith.cmpi ne, %convert_element_type3A_378, %cond3A_379 : i32
      scf.if %cond3A_380 {
        %add3A_381 = arith.constant 4 : i32
        %add3A_382 = arith.addi %mul3A_156, %add3A_381 : i32
        %add3A_383 = arith.constant 3 : i32
        %add3A_384 = arith.addi %add3A_382, %add3A_383 : i32
        %dma_start3A_385 = arith.constant 3 : i32
        %dma_start3A_386 = arith.constant 3 : i32
        %dma_start3A_387 = arith.constant 0 : i32
        %dma_start3A_388 = arith.constant 0 : i32
        %dma_start3A_389 = tpu.memref_slice %arg6[%dma_start3A_385, %dma_start3A_387, %dma_start3A_388] : memref<4x50x128xf32, #tpu.memory_space<vmem>> -> memref<1x50x128xf32, #tpu.memory_space<vmem>>
        %dma_start3A_390 = tpu.memref_squeeze %dma_start3A_389 : memref<1x50x128xf32, #tpu.memory_space<vmem>> -> memref<50x128xf32, #tpu.memory_space<vmem>>
        %dma_start3A_391 = arith.constant 0 : i32
        %dma_start3A_392 = tpu.memref_slice %arg5[%add3A_384, %dma_start3A_391] : memref<512x50xi32, #tpu.memory_space<vmem>> -> memref<1x50xi32, #tpu.memory_space<vmem>>
        %dma_start3A_393 = tpu.memref_squeeze %dma_start3A_392 : memref<1x50xi32, #tpu.memory_space<vmem>> -> memref<50xi32, #tpu.memory_space<vmem>>
        %dma_start3A_394 = arith.constant 0 : i32
        %dma_start3A_395 = arith.constant 0 : i32
        %dma_start3A_396 = tpu.memref_slice %arg3[%dma_start3A_394, %dma_start3A_395] : memref<1000000x128xf32, #tpu.memory_space<hbm>> -> memref<1000000x128xf32, #tpu.memory_space<hbm>>
        %dma_start3A_397 = tpu.memref_slice %arg8[%dma_start3A_386] : memref<4x!tpu.dma_semaphore, #tpu.memory_space<semaphore_mem>> -> memref<1x!tpu.dma_semaphore, #tpu.memory_space<semaphore_mem>>
        %dma_start3A_398 = tpu.memref_squeeze %dma_start3A_397 : memref<1x!tpu.dma_semaphore, #tpu.memory_space<semaphore_mem>> -> memref<!tpu.dma_semaphore, #tpu.memory_space<semaphore_mem>>
        tpu.enqueue_indirect_dma source(%dma_start3A_396 : memref<1000000x128xf32, #tpu.memory_space<hbm>>) target(%dma_start3A_390 : memref<50x128xf32, #tpu.memory_space<vmem>>) offsets(%dma_start3A_393 : memref<50xi32, #tpu.memory_space<vmem>>) semaphore(%dma_start3A_398 : memref<!tpu.dma_semaphore, #tpu.memory_space<semaphore_mem>>)
      } else {
      }
    }
    %scan3A_66 = arith.constant 128 : i32
    %add3A_67 = arith.constant 508 : i32
    %add3A_68 = arith.addi %mul3A_2, %add3A_67 : i32
    %dma_wait3A = arith.constant 0 : i32
    %dma_wait3A_69 = arith.constant 0 : i32
    %dma_wait3A_70 = arith.constant 0 : i32
    %dma_wait3A_71 = arith.constant 0 : i32
    %dma_wait3A_72 = tpu.memref_slice %arg7[%dma_wait3A, %dma_wait3A_70, %dma_wait3A_71] : memref<4x50x64xf32, #tpu.memory_space<vmem>> -> memref<1x50x64xf32, #tpu.memory_space<vmem>>
    %dma_wait3A_73 = tpu.memref_squeeze %dma_wait3A_72 : memref<1x50x64xf32, #tpu.memory_space<vmem>> -> memref<50x64xf32, #tpu.memory_space<vmem>>
    %dma_wait3A_74 = arith.constant 0 : i32
    %dma_wait3A_75 = arith.constant 0 : i32
    %dma_wait3A_76 = tpu.memref_slice %arg4[%add3A_68, %dma_wait3A_74, %dma_wait3A_75] : memref<16384x50x64xf32, #tpu.memory_space<hbm>> -> memref<1x50x64xf32, #tpu.memory_space<hbm>>
    %dma_wait3A_77 = tpu.memref_squeeze %dma_wait3A_76 : memref<1x50x64xf32, #tpu.memory_space<hbm>> -> memref<50x64xf32, #tpu.memory_space<hbm>>
    %dma_wait3A_78 = tpu.memref_slice %arg9[%dma_wait3A_69] : memref<4x!tpu.dma_semaphore, #tpu.memory_space<semaphore_mem>> -> memref<1x!tpu.dma_semaphore, #tpu.memory_space<semaphore_mem>>
    %dma_wait3A_79 = tpu.memref_squeeze %dma_wait3A_78 : memref<1x!tpu.dma_semaphore, #tpu.memory_space<semaphore_mem>> -> memref<!tpu.dma_semaphore, #tpu.memory_space<semaphore_mem>>
    %dma_wait3A_80 = arith.constant 0 : i32
    %dma_wait3A_81 = arith.constant 0 : i32
    %dma_wait3A_82 = tpu.memref_slice %arg4[%add3A_68, %dma_wait3A_80, %dma_wait3A_81] : memref<16384x50x64xf32, #tpu.memory_space<hbm>> -> memref<1x50x64xf32, #tpu.memory_space<hbm>>
    %dma_wait3A_83 = tpu.memref_squeeze %dma_wait3A_82 : memref<1x50x64xf32, #tpu.memory_space<hbm>> -> memref<50x64xf32, #tpu.memory_space<hbm>>
    %dma_wait3A_84 = arith.constant 0 : i32
    %dma_wait3A_85 = arith.constant 0 : i32
    %dma_wait3A_86 = tpu.memref_slice %arg7[%dma_wait3A, %dma_wait3A_84, %dma_wait3A_85] : memref<4x50x64xf32, #tpu.memory_space<vmem>> -> memref<1x50x64xf32, #tpu.memory_space<vmem>>
    %dma_wait3A_87 = tpu.memref_squeeze %dma_wait3A_86 : memref<1x50x64xf32, #tpu.memory_space<vmem>> -> memref<50x64xf32, #tpu.memory_space<vmem>>
    tpu.wait_dma2 semaphore(%dma_wait3A_79 : memref<!tpu.dma_semaphore, #tpu.memory_space<semaphore_mem>>) src(%dma_wait3A_87 : memref<50x64xf32, #tpu.memory_space<vmem>>) dst(%dma_wait3A_83 : memref<50x64xf32, #tpu.memory_space<hbm>>)
    %add3A_88 = arith.constant 509 : i32
    %add3A_89 = arith.addi %mul3A_2, %add3A_88 : i32
    %dma_wait3A_90 = arith.constant 1 : i32
    %dma_wait3A_91 = arith.constant 1 : i32
    %dma_wait3A_92 = arith.constant 0 : i32
    %dma_wait3A_93 = arith.constant 0 : i32
    %dma_wait3A_94 = tpu.memref_slice %arg7[%dma_wait3A_90, %dma_wait3A_92, %dma_wait3A_93] : memref<4x50x64xf32, #tpu.memory_space<vmem>> -> memref<1x50x64xf32, #tpu.memory_space<vmem>>
    %dma_wait3A_95 = tpu.memref_squeeze %dma_wait3A_94 : memref<1x50x64xf32, #tpu.memory_space<vmem>> -> memref<50x64xf32, #tpu.memory_space<vmem>>
    %dma_wait3A_96 = arith.constant 0 : i32
    %dma_wait3A_97 = arith.constant 0 : i32
    %dma_wait3A_98 = tpu.memref_slice %arg4[%add3A_89, %dma_wait3A_96, %dma_wait3A_97] : memref<16384x50x64xf32, #tpu.memory_space<hbm>> -> memref<1x50x64xf32, #tpu.memory_space<hbm>>
    %dma_wait3A_99 = tpu.memref_squeeze %dma_wait3A_98 : memref<1x50x64xf32, #tpu.memory_space<hbm>> -> memref<50x64xf32, #tpu.memory_space<hbm>>
    %dma_wait3A_100 = tpu.memref_slice %arg9[%dma_wait3A_91] : memref<4x!tpu.dma_semaphore, #tpu.memory_space<semaphore_mem>> -> memref<1x!tpu.dma_semaphore, #tpu.memory_space<semaphore_mem>>
    %dma_wait3A_101 = tpu.memref_squeeze %dma_wait3A_100 : memref<1x!tpu.dma_semaphore, #tpu.memory_space<semaphore_mem>> -> memref<!tpu.dma_semaphore, #tpu.memory_space<semaphore_mem>>
    %dma_wait3A_102 = arith.constant 0 : i32
    %dma_wait3A_103 = arith.constant 0 : i32
    %dma_wait3A_104 = tpu.memref_slice %arg4[%add3A_89, %dma_wait3A_102, %dma_wait3A_103] : memref<16384x50x64xf32, #tpu.memory_space<hbm>> -> memref<1x50x64xf32, #tpu.memory_space<hbm>>
    %dma_wait3A_105 = tpu.memref_squeeze %dma_wait3A_104 : memref<1x50x64xf32, #tpu.memory_space<hbm>> -> memref<50x64xf32, #tpu.memory_space<hbm>>
    %dma_wait3A_106 = arith.constant 0 : i32
    %dma_wait3A_107 = arith.constant 0 : i32
    %dma_wait3A_108 = tpu.memref_slice %arg7[%dma_wait3A_90, %dma_wait3A_106, %dma_wait3A_107] : memref<4x50x64xf32, #tpu.memory_space<vmem>> -> memref<1x50x64xf32, #tpu.memory_space<vmem>>
    %dma_wait3A_109 = tpu.memref_squeeze %dma_wait3A_108 : memref<1x50x64xf32, #tpu.memory_space<vmem>> -> memref<50x64xf32, #tpu.memory_space<vmem>>
    tpu.wait_dma2 semaphore(%dma_wait3A_101 : memref<!tpu.dma_semaphore, #tpu.memory_space<semaphore_mem>>) src(%dma_wait3A_109 : memref<50x64xf32, #tpu.memory_space<vmem>>) dst(%dma_wait3A_105 : memref<50x64xf32, #tpu.memory_space<hbm>>)
    %add3A_110 = arith.constant 510 : i32
    %add3A_111 = arith.addi %mul3A_2, %add3A_110 : i32
    %dma_wait3A_112 = arith.constant 2 : i32
    %dma_wait3A_113 = arith.constant 2 : i32
    %dma_wait3A_114 = arith.constant 0 : i32
    %dma_wait3A_115 = arith.constant 0 : i32
    %dma_wait3A_116 = tpu.memref_slice %arg7[%dma_wait3A_112, %dma_wait3A_114, %dma_wait3A_115] : memref<4x50x64xf32, #tpu.memory_space<vmem>> -> memref<1x50x64xf32, #tpu.memory_space<vmem>>
    %dma_wait3A_117 = tpu.memref_squeeze %dma_wait3A_116 : memref<1x50x64xf32, #tpu.memory_space<vmem>> -> memref<50x64xf32, #tpu.memory_space<vmem>>
    %dma_wait3A_118 = arith.constant 0 : i32
    %dma_wait3A_119 = arith.constant 0 : i32
    %dma_wait3A_120 = tpu.memref_slice %arg4[%add3A_111, %dma_wait3A_118, %dma_wait3A_119] : memref<16384x50x64xf32, #tpu.memory_space<hbm>> -> memref<1x50x64xf32, #tpu.memory_space<hbm>>
    %dma_wait3A_121 = tpu.memref_squeeze %dma_wait3A_120 : memref<1x50x64xf32, #tpu.memory_space<hbm>> -> memref<50x64xf32, #tpu.memory_space<hbm>>
    %dma_wait3A_122 = tpu.memref_slice %arg9[%dma_wait3A_113] : memref<4x!tpu.dma_semaphore, #tpu.memory_space<semaphore_mem>> -> memref<1x!tpu.dma_semaphore, #tpu.memory_space<semaphore_mem>>
    %dma_wait3A_123 = tpu.memref_squeeze %dma_wait3A_122 : memref<1x!tpu.dma_semaphore, #tpu.memory_space<semaphore_mem>> -> memref<!tpu.dma_semaphore, #tpu.memory_space<semaphore_mem>>
    %dma_wait3A_124 = arith.constant 0 : i32
    %dma_wait3A_125 = arith.constant 0 : i32
    %dma_wait3A_126 = tpu.memref_slice %arg4[%add3A_111, %dma_wait3A_124, %dma_wait3A_125] : memref<16384x50x64xf32, #tpu.memory_space<hbm>> -> memref<1x50x64xf32, #tpu.memory_space<hbm>>
    %dma_wait3A_127 = tpu.memref_squeeze %dma_wait3A_126 : memref<1x50x64xf32, #tpu.memory_space<hbm>> -> memref<50x64xf32, #tpu.memory_space<hbm>>
    %dma_wait3A_128 = arith.constant 0 : i32
    %dma_wait3A_129 = arith.constant 0 : i32
    %dma_wait3A_130 = tpu.memref_slice %arg7[%dma_wait3A_112, %dma_wait3A_128, %dma_wait3A_129] : memref<4x50x64xf32, #tpu.memory_space<vmem>> -> memref<1x50x64xf32, #tpu.memory_space<vmem>>
    %dma_wait3A_131 = tpu.memref_squeeze %dma_wait3A_130 : memref<1x50x64xf32, #tpu.memory_space<vmem>> -> memref<50x64xf32, #tpu.memory_space<vmem>>
    tpu.wait_dma2 semaphore(%dma_wait3A_123 : memref<!tpu.dma_semaphore, #tpu.memory_space<semaphore_mem>>) src(%dma_wait3A_131 : memref<50x64xf32, #tpu.memory_space<vmem>>) dst(%dma_wait3A_127 : memref<50x64xf32, #tpu.memory_space<hbm>>)
    %add3A_132 = arith.constant 511 : i32
    %add3A_133 = arith.addi %mul3A_2, %add3A_132 : i32
    %dma_wait3A_134 = arith.constant 3 : i32
    %dma_wait3A_135 = arith.constant 3 : i32
    %dma_wait3A_136 = arith.constant 0 : i32
    %dma_wait3A_137 = arith.constant 0 : i32
    %dma_wait3A_138 = tpu.memref_slice %arg7[%dma_wait3A_134, %dma_wait3A_136, %dma_wait3A_137] : memref<4x50x64xf32, #tpu.memory_space<vmem>> -> memref<1x50x64xf32, #tpu.memory_space<vmem>>
    %dma_wait3A_139 = tpu.memref_squeeze %dma_wait3A_138 : memref<1x50x64xf32, #tpu.memory_space<vmem>> -> memref<50x64xf32, #tpu.memory_space<vmem>>
    %dma_wait3A_140 = arith.constant 0 : i32
    %dma_wait3A_141 = arith.constant 0 : i32
    %dma_wait3A_142 = tpu.memref_slice %arg4[%add3A_133, %dma_wait3A_140, %dma_wait3A_141] : memref<16384x50x64xf32, #tpu.memory_space<hbm>> -> memref<1x50x64xf32, #tpu.memory_space<hbm>>
    %dma_wait3A_143 = tpu.memref_squeeze %dma_wait3A_142 : memref<1x50x64xf32, #tpu.memory_space<hbm>> -> memref<50x64xf32, #tpu.memory_space<hbm>>
    %dma_wait3A_144 = tpu.memref_slice %arg9[%dma_wait3A_135] : memref<4x!tpu.dma_semaphore, #tpu.memory_space<semaphore_mem>> -> memref<1x!tpu.dma_semaphore, #tpu.memory_space<semaphore_mem>>
    %dma_wait3A_145 = tpu.memref_squeeze %dma_wait3A_144 : memref<1x!tpu.dma_semaphore, #tpu.memory_space<semaphore_mem>> -> memref<!tpu.dma_semaphore, #tpu.memory_space<semaphore_mem>>
    %dma_wait3A_146 = arith.constant 0 : i32
    %dma_wait3A_147 = arith.constant 0 : i32
    %dma_wait3A_148 = tpu.memref_slice %arg4[%add3A_133, %dma_wait3A_146, %dma_wait3A_147] : memref<16384x50x64xf32, #tpu.memory_space<hbm>> -> memref<1x50x64xf32, #tpu.memory_space<hbm>>
    %dma_wait3A_149 = tpu.memref_squeeze %dma_wait3A_148 : memref<1x50x64xf32, #tpu.memory_space<hbm>> -> memref<50x64xf32, #tpu.memory_space<hbm>>
    %dma_wait3A_150 = arith.constant 0 : i32
    %dma_wait3A_151 = arith.constant 0 : i32
    %dma_wait3A_152 = tpu.memref_slice %arg7[%dma_wait3A_134, %dma_wait3A_150, %dma_wait3A_151] : memref<4x50x64xf32, #tpu.memory_space<vmem>> -> memref<1x50x64xf32, #tpu.memory_space<vmem>>
    %dma_wait3A_153 = tpu.memref_squeeze %dma_wait3A_152 : memref<1x50x64xf32, #tpu.memory_space<vmem>> -> memref<50x64xf32, #tpu.memory_space<vmem>>
    tpu.wait_dma2 semaphore(%dma_wait3A_145 : memref<!tpu.dma_semaphore, #tpu.memory_space<semaphore_mem>>) src(%dma_wait3A_153 : memref<50x64xf32, #tpu.memory_space<vmem>>) dst(%dma_wait3A_149 : memref<50x64xf32, #tpu.memory_space<hbm>>)
    return
  }
}

module attributes {stable_mosaic.version = 14 : i64} {
  func.func @body(%arg0: i32, %arg1: memref<64x16000xf32, #tpu.memory_space<vmem>>, %arg2: memref<16000x128xf32, #tpu.memory_space<vmem>>) attributes {dimension_semantics = [#tpu.dimension_semantics<arbitrary>], iteration_bounds = array<i64: 63>, scalar_prefetch = 0 : i64, scratch_operands = 0 : i64, tpu.core_type = #tpu.core_type<tc>, window_params = [{transform_indices = @transform_0, window_bounds = array<i64: 64, 16000>}, {transform_indices = @transform_1, window_bounds = array<i64: 16000, 128>}]} {
    %get3A = arith.constant 0 : index
    %get3A_0 = arith.constant 0 : index
    %get3A_1 = vector.load %arg1[%get3A, %get3A_0] : memref<64x16000xf32, #tpu.memory_space<vmem>>, vector<64x16000xf32>
    %transpose3A = tpu.transpose %get3A_1, [1, 0] : vector<64x16000xf32> -> vector<16000x64xf32>
    %swap3A = arith.constant 0 : index
    %swap3A_2 = arith.constant 0 : index
    %swap3A_3 = vector.load %arg2[%swap3A, %swap3A_2] : memref<16000x128xf32, #tpu.memory_space<vmem>>, vector<16000x64xf32>
    tpu.vector_store %arg2[%swap3A, %swap3A_2], %transpose3A {strides = array<i32>} : memref<16000x128xf32, #tpu.memory_space<vmem>>, vector<16000x64xf32>,
    %broadcast_in_dim3A = arith.constant 0.000000e+00 : f32
    %broadcast_in_dim3A_4 = vector.broadcast %broadcast_in_dim3A : f32 to vector<16000x64xf32>
    %swap3A_5 = arith.constant 0 : index
    %swap3A_6 = arith.constant 64 : index
    %swap3A_7 = vector.load %arg2[%swap3A_5, %swap3A_6] : memref<16000x128xf32, #tpu.memory_space<vmem>>, vector<16000x64xf32>
    tpu.vector_store %arg2[%swap3A_5, %swap3A_6], %broadcast_in_dim3A_4 {strides = array<i32>} : memref<16000x128xf32, #tpu.memory_space<vmem>>, vector<16000x64xf32>,
    return
  }
  func.func @transform_0(%arg0: i32) -> (i32, i32) {
    %c0_i32 = arith.constant 0 : i32
    %c0_i32_0 = arith.constant 0 : i32
    return %c0_i32, %arg0 : i32, i32
  }
  func.func @transform_1(%arg0: i32) -> (i32, i32) {
    %c0_i32 = arith.constant 0 : i32
    %c0_i32_0 = arith.constant 0 : i32
    return %arg0, %c0_i32 : i32, i32
  }
}

</mosaic_0001>

<sc_bundles>
// kernel: kernel.4.cloned.1.call-start
scs
__scs_entry_jumppad:
0x0: {  	(pc) =	sbr.rel $0x88, $3  }
0x1: {  	(tag) =	ssettag $0x0;
	lr =	simm.s32 $0x1  }
0x2: {  	[smem:$0x3F9F] =	sst lr;
	_ =	strace $0xD0000000  }
0x3: {  	_ = 	snop  }
0x4: {  	_ = 	snop  }
0x5: {  	_ = 	snop  }
0x6: {  	_ = 	snop  }
0x7: {  	_ = 	snop  }
__scs_overlays_trampoline_lowered:
0x8: {  	[smem:$0x3FAE] =	sst s0  }
0x9: {  	[smem:$0x3FAF] =	sst s1  }
0xa: {  	[smem:$0x3FB0] =	sst s2  }
0xb: {  	[smem:$0x3FB1] =	sst s3  }
0xc: {  	[smem:$0x3FB2] =	sst s4  }
0xd: {  	[smem:$0x3FB3] =	sst s5  }
0xe: {  	[smem:$0x3FB4] =	sst s6  }
0xf: {  	[smem:$0x3FB5] =	sst s7  }
0x10: {  	[smem:$0x3FB6] =	sst s8  }
0x11: {  	[smem:$0x3FB7] =	sst s9;
	s0 =	simm.s32 @!p0 $0x0  }
0x12: {  	s1 =	sld [smem:$0x3F9D];
	s0 =	simm.s32 @p0 $0x1  }
0x13: {  	[smem:$0x3FB8] =	sst s0;
	s0 =	simm.s32 @!p1 $0x0  }
0x14: {  	s2 =	sld [smem:$0x3F9C];
	s0 =	simm.s32 @p1 $0x1  }
0x15: {  	[smem:$0x3FB9] =	sst s0;
	s0 =	simm.s32 @!p2 $0x0  }
0x16: {  	s3 =	sld [smem:$0x3FDB];
	s0 =	simm.s32 @p2 $0x1  }
0x17: {  	s4 =	simm.s32 $0x1BF5;
	[smem:$0x3FBB] =	sst s0  }
0x18: {  	s0 =	sld [smem:$0x3F9E];
	_ =	swait.ge [sflag:s4], $0x0  }
0x19: {  	s7 =	sld [smem:$0x3F9F]  }
0x1a: {  	s8 =	sadd.s32 $0xFFFFE003, lr  }
0x1b: {  	s9 =	sadd.s32 $0xFFFFFEF7, lr;
	s5 =	simm.s32 $0xFFFFFFFF;
	p2 =	slt.u32 s8, $0xFFFFF086  }
0x1c: {  	p1 =	slt.u32 s9, $0xF7A;
	s5 =	simm.s32 @!p2 $0x0  }
0x1d: {  	s5 =	simm.s32 @p1 $0x1;
	p0 =	seq.s32 s7, s2  }
0x1e: {  	s7 =	smul.u32 @!p0 $0xF7A, s2;
	p2 =	seq.s32 @!p0 s5, $0x0  }
0x1f: {  	s9 =	smul.u32 $0xF7A, s1;
	s8 =	simm.s32 @!p0 $0x1BF5;
	p2 =	por !p2, p0  }
0x20: {  	[sflag:s8] =	ssyncset.s32 @!p0 $0xFFFFF086;
	s6 =	sadd.s32 @!p0 s3, s7;
	s7 =	simm.s32 @!p0 $0x108  }
0x21: {  	s3 =	sadd.s32 s3, s9;
	s6 =	sadd.s32 @!p0 $0x88, s6;
	s7 =	simm.s32 @p2 $0x1082  }
0x22: {  	[simem:s7], [sflag:s8] =	dma.local @!p0 [hbm:s6], $0xF7A  }
0x23: {  	s9 =	sor.u32 $0xD0000000, s2;
	s6 =	simm.s32 $0x108;
	_ =	swait.ge @!p0 [sflag:s8], $0x0  }
0x24: {  	s3 =	sadd.s32 $0x88, s3;
	s6 =	simm.s32 @!p1 $0x1082;
	[sflag:s4] =	ssyncset.s32 $0xFFFFF086  }
0x25: {  	[simem:s6], [sflag:s4] =	dma.local [hbm:s3], $0xF7A  }
0x26: {  	[smem:$0x3F9F] =	sst s1;
	(tag) =	ssettag s2;
	_ =	strace s9  }
0x27: {  	s1 =	sld [smem:$0x3FAF]  }
0x28: {  	s2 =	sld [smem:$0x3FB0]  }
0x29: {  	s4 =	sld [smem:$0x3FB2]  }
0x2a: {  	p0 =	seq.s32 s5, $0x0;
	s5 =	sld [smem:$0x3FB3]  }
0x2b: {  	s6 =	sld [smem:$0x3FB4]  }
0x2c: {  	s7 =	sld [smem:$0x3FB5]  }
0x2d: {  	s3 =	simm.s32 $0x108;
	s8 =	sld [smem:$0x3FB6]  }
0x2e: {  	s3 =	simm.s32 @!p0 $0x1082;
	s9 =	sld [smem:$0x3FB7]  }
0x2f: {  	lr =	sadd.s32 s0, s3;
	s0 =	sld [smem:$0x3FAE]  }
0x30: {  	s3 =	sld [smem:$0x3FB1]  }
0x31: {  	[smem:$0x3FBA] =	sst s10  }
0x32: {  	s10 =	sld [smem:$0x3FB8];
	_ =	sdelay $0x3  }
0x33: {  	p0 =	seq.s32 s10, $0x1;
	s10 =	sld [smem:$0x3FBA];
	_ =	sdelay $0x3  }
0x34: {  	[smem:$0x3FBA] =	sst s10  }
0x35: {  	s10 =	sld [smem:$0x3FB9];
	_ =	sdelay $0x3  }
0x36: {  	p1 =	seq.s32 s10, $0x1;
	s10 =	sld [smem:$0x3FBA];
	_ =	sdelay $0x3  }
0x37: {  	[smem:$0x3FBA] =	sst s10  }
0x38: {  	s10 =	sld [smem:$0x3FBB]  }
0x39: {  	_ = 	snop;
	(pc) =	sbr.ind lr, $3  }
0x3a: {  	_ = 	snop  }
0x3b: {  	_ = 	snop  }
0x3c: {  	p2 =	seq.s32 s10, $0x1;
	s10 =	sld [smem:$0x3FBA]  }
0x3d: {  	_ =	shalt  }
0x3e: {  	_ =	shalt  }
0x3f: {  	_ =	shalt  }
0x40: {  	_ =	shalt  }
0x41: {  	_ =	shalt  }
0x42: {  	_ =	shalt  }
0x43: {  	_ =	shalt  }
0x44: {  	_ =	shalt  }
0x45: {  	_ =	shalt  }
0x46: {  	_ =	shalt  }
0x47: {  	_ =	shalt  }
0x48: {  	_ =	shalt  }
0x49: {  	_ =	shalt  }
0x4a: {  	_ =	shalt  }
0x4b: {  	_ =	shalt  }
0x4c: {  	_ =	shalt  }
0x4d: {  	_ =	shalt  }
0x4e: {  	_ =	shalt  }
0x4f: {  	_ =	shalt  }
0x50: {  	_ =	shalt  }
0x51: {  	_ =	shalt  }
0x52: {  	_ =	shalt  }
0x53: {  	_ =	shalt  }
0x54: {  	_ =	shalt  }
0x55: {  	_ =	shalt  }
0x56: {  	_ =	shalt  }
0x57: {  	_ =	shalt  }
0x58: {  	_ =	shalt  }
0x59: {  	_ =	shalt  }
0x5a: {  	_ =	shalt  }
0x5b: {  	_ =	shalt  }
0x5c: {  	_ =	shalt  }
0x5d: {  	_ =	shalt  }
0x5e: {  	_ =	shalt  }
0x5f: {  	_ =	shalt  }
0x60: {  	_ =	shalt  }
0x61: {  	_ =	shalt  }
0x62: {  	_ =	shalt  }
0x63: {  	_ =	shalt  }
0x64: {  	_ =	shalt  }
0x65: {  	_ =	shalt  }
0x66: {  	_ =	shalt  }
0x67: {  	_ =	shalt  }
0x68: {  	_ =	shalt  }
0x69: {  	_ =	shalt  }
0x6a: {  	_ =	shalt  }
0x6b: {  	_ =	shalt  }
0x6c: {  	_ =	shalt  }
0x6d: {  	_ =	shalt  }
0x6e: {  	_ =	shalt  }
0x6f: {  	_ =	shalt  }
0x70: {  	_ =	shalt  }
0x71: {  	_ =	shalt  }
0x72: {  	_ =	shalt  }
0x73: {  	_ =	shalt  }
0x74: {  	_ =	shalt  }
0x75: {  	_ =	shalt  }
0x76: {  	_ =	shalt  }
0x77: {  	_ =	shalt  }
0x78: {  	_ =	shalt  }
0x79: {  	_ =	shalt  }
0x7a: {  	_ =	shalt  }
0x7b: {  	_ =	shalt  }
0x7c: {  	_ =	shalt  }
0x7d: {  	_ =	shalt  }
0x7e: {  	_ =	shalt  }
0x7f: {  	_ =	shalt  }
0x80: {  	_ =	shalt  }
0x81: {  	_ =	shalt  }
0x82: {  	_ =	shalt  }
0x83: {  	_ =	shalt  }
0x84: {  	_ =	shalt  }
0x85: {  	_ =	shalt  }
0x86: {  	_ =	shalt  }
0x87: {  	_ =	shalt  }
.Lfunc_end0:
.L_simem_size_0:
called_computation_lowered:
.L_overlay_start_0:
0x88: {  	s2 =	sld [smem:$0x3FD9]  }
0x89: {  	s3 =	sld [smem:$0x3FFE];
	_ =	sdelay $0x1  }
0x8a: {  	s1 =	srdreg.scid  }
0x8b: {  	s0 =	sand.u32 $0x1, s1  }
0x8c: {  	s17 =	sshll.u32 s0, $0xA;
	s2 =	sadd.s32 s3, s2  }
0x8d: {  	s2 =	sadd.s32 s2, s17  }
0x8e: {  	[smem:$0x3FC6] =	sst s2  }
0x8f: {  	_ = 	snop  }
0x90: {  	s2 =	sld [smem:$0x3FD0];
	(tm) =	ssettm $0x1  }
0x91: {  	s18 =	sld [smem:$0x3FFB];
	_ =	sdelay $0x3  }
0x92: {  	_ =	strace s18  }
0x93: {  	s3 =	sld [smem:$0x3FFC];
	_ =	sdelay $0x3  }
0x94: {  	_ =	strace s3  }
0x95: {  	s3 =	sld [smem:$0x3FFD];
	_ =	sdelay $0x3  }
0x96: {  	_ =	strace s3  }
0x97: {  	_ =	strace $0x8FFFFFFF  }
0x98: {  	s19 =	sld [smem:$0x3FDB];
	_ =	sdelay $0x1  }
0x99: {  	s4 =	simm.s32 $_scs_section_size  }
0x9a: {  	s5 =	simm.s32 $_size__tile_overlayer_lowered;
	s6 =	simm.s32 $_tile_overlayer_lowered  }
0x9b: {  	s22 =	simm.s32 $0x1BFF;
	s21 =	sshll.u32 s6, $0x1;
	s3 =	sadd.s32 s4, s19  }
0x9c: {  	s7 =	simm.s32 $0x0;
	s20 =	sshll.u32 s5, $0x1;
	s5 =	sadd.s32 s21, s3  }
0x9d: {  	[timem:s7], [sflag:s22] =	dma.local [hbm:s5], s20  }
0x9e: {  	_ =	swait.ge [sflag:s22], s20  }
0x9f: {  	s4 =	ssub.s32 $0x0, s20;
	[sflag:s22] =	ssyncset.done $0x0  }
0xa0: {  	[sflag:s22] =	ssyncadd.s32 s4;
	_ =	sdelay $0x1  }
0xa1: {  	s23 =	simm.s32 $0x1B8B  }
0xa2: {  	_ =	swait.ge [sflag:s23], $0x1  }
0xa3: {  	[sflag:s23] =	ssyncset.done $0x0  }
0xa4: {  	s25 =	simm.s32 $0x1B8E;
	s24 =	sld [smem:$0x3FFE];
	[sflag:s23] =	ssyncadd.s32 $0xFFFFFFFF  }
0xa5: {  	s26 =	simm.s32 $execute0_lowered;
	[smem:$0x3FD2] =	sst s25  }
0xa6: {  	s5 =	sshll.u32 s26, $0x1;
	_ =	strace $0x80000046;
	[dreg:$0x1] =	wrdreg $0xFFFFFFFF  }
0xa7: {  	s28 =	simm.s32 $_size_execute0_lowered;
	s3 =	sadd.s32 s3, s5;
	[dreg:$0x0] =	wrdreg $0x0  }
0xa8: {  	s5 =	sshll.u32 s28, $0x1;
	[dreg:$0x2] =	wrdreg s3  }
0xa9: {  	[dreg:$0x3] =	wrdreg s5  }
0xaa: {  	[dreg:$0x4] =	wrdreg $0xC0  }
0xab: {  	_ =	task [dreg:s7], $0x5FFFF  }
0xac: {  	[dreg:$0x1] =	wrdreg $0xFFFFFFFF  }
0xad: {  	[dreg:$0x0] =	wrdreg $0x60  }
0xae: {  	[dreg:$0x2] =	wrdreg s2  }
0xaf: {  	[dreg:$0x3] =	wrdreg s24  }
0xb0: {  	[dreg:$0x4] =	wrdreg $0x9  }
0xb1: {  	_ =	task.clear_ibuf [dreg:s7], $0x5FFFF;
	_ =	strace $0x90000046  }
0xb2: {  	s29 =	simm.s32 $0x9;
	_ =	strace $0x80000048  }
0xb3: {  	_ =	swait.ge [sflag:s29], $0x1  }
0xb4: {  	[sflag:s29] =	ssyncadd.s32 $0xFFFFFFFF  }
0xb5: {  	_ =	strace $0x90000048  }
0xb6: {  	_ =	sfence  }
0xb7: {  	s30 =	sld [smem:$0x0];
	_ =	sdelay $0x2  }
0xb8: {  	s31 =	sshll.u32 s1, $0xD;
	s1 =	sshrl.u32 s1, $0x2  }
0xb9: {  	s3 =	sand.u32 $0x4000, s31;
	s1 =	sadd.s32 s1, s30  }
0xba: {  	s0 =	sor.u32 s3, s0;
	s1 =	sshll.u32 s1, $0x11  }
0xbb: {  	s0 =	sor.u32 s1, s0  }
0xbc: {  	s0 =	sadd.s32 $0x8F2B, s0  }
0xbd: {  	[sflag:s0] =	ssyncadd.remote.s32 $0x1  }
0xbe: {  	_ =	sfence.sel $0xFFFF  }
0xbf: {  	[dreg:$0x0] =	wrdreg $0xFFFFFFFF;
	(pc) =	sbr.abs _section_cstart, $3  }
0xc0: {  	[dreg:$0x1] =	wrdreg $0xFFFFFFFF  }
0xc1: {  	_ =	task.clear_ibuf [dreg:s7], $0x2FFFF;
	_ =	strace $0x9FFFFFFF  }
0xc2: {  	(tm) =	ssettm $0x7FFFFFFF  }
0xc3: {  	_ =	shalt  }
tec
execute0_lowered:
.L_overlay_start_1:
0x0: {  	(tag) =	ssettag $0x1  }
0x1: {  	s0 =	rddreg [dreg:$0x0]  }
0x2: {  	s1 =	rddreg [dreg:$0x1]  }
0x3: {  	s2 =	simm.s32 $0x0;
	s3 =	srdreg.scid;
	s4 =	stileid.u32  }
0x4: {  	s8 =	simm.s32 $0x9;
	s9 =	simm.s32 $0x32;
	s10 =	simm.s32 $0x10000  }
0x5: {  	s12 =	simm.s32 $0x11C00;
	s14 =	simm.s32 $0x13800;
	s16 =	simm.s32 $0x15400  }
0x6: {  	s17 =	simm.s32 $0x1;
	s18 =	simm.s32 $0x17000;
	s19 =	simm.s32 $0x2  }
0x7: {  	s20 =	simm.s32 $0x6;
	s21 =	simm.s32 $0x18C00;
	s22 =	simm.s32 $0x3  }
0x8: {  	s23 =	simm.s32 $0x7;
	s24 =	simm.s32 $0x1A800;
	s25 =	simm.s32 $0x4  }
0x9: {  	s28 =	simm.s32 $0x1C400;
	s29 =	simm.s32 $0x5;
	s30 =	simm.s32 $0x0  }
0xa: {  	[smem:$0x7FF] =	sst s2;
	s3 =	sand.u32 $0x1, s3;
	s4 =	sshll.u32 s4, $0xA  }
0xb: {  	_ =	strace $0x80000047;
	s6 =	ssub.s32 $0x2, s3;
	s5 =	sshll.u32 s3, $0x9  }
0xc: {  	s3 =	sadd.s32 $0x400, s1;
	s7 =	sshrl.u32 s6, $0x1;
	s4 =	sor.u32 s5, s4  }
0xd: {  	s5 =	sadd.s32 $0xF42800, s1;
	s26 =	ssub.s32 s6, s7;
	s31 =	sshll.u32 s4, $0x4  }
0xe: {  	s6 =	sadd.s32 s0, s31;
	s7 =	smax.u32 s26, $0x1;
	s26 =	simm.s32 $0x8  }
.LBB2_1:
0xf: {  	[tilespmem:s2], [sflag:$0x9] =	stream.linear.gather [hbm4b:s6+s2], $0x10000, $0x38;
	[tilespmem:$0x1E000] =	vst v63  }
0x10: {  	_ =	swait.ge [sflag:s8], $0x10000  }
0x11: {  	[sflag:s8] =	ssyncset.done $0x0  }
0x12: {  	[sflag:s8] =	ssyncadd.s32 $0xFFFF0000  }
0x13: {  	[tilespmem:s10], [sflag:$0x1] =	stream.indirect.gather [hbm4b:s3+s9], $0x80, s2, s9, $0xb8;
	[tilespmem:$0x1E000] =	vst v63  }
0x14: {  	s0 =	simm.s32 $0x80  }
0x15: {  	[tilespmem:s12], [sflag:$0x2] =	stream.indirect.gather [hbm4b:s3+s9], $0x80, s0, s9, $0xb8;
	[tilespmem:$0x1E000] =	vst v63  }
0x16: {  	s13 =	simm.s32 $0x100  }
0x17: {  	[tilespmem:s14], [sflag:$0x3] =	stream.indirect.gather [hbm4b:s3+s9], $0x80, s13, s9, $0xb8;
	[tilespmem:$0x1E000] =	vst v63  }
0x18: {  	s15 =	simm.s32 $0x180;
	s31 =	simm.s32 $0x0  }
0x19: {  	[tilespmem:s16], [sflag:$0x4] =	stream.indirect.gather [hbm4b:s3+s9], $0x80, s15, s9, $0xb8;
	[tilespmem:$0x1E000] =	vst v63  }
.LBB2_2:
0x1a: {  	_ =	swait.ge [sflag:s17], $0x1900  }
0x1b: {  	p0 =	seq.s32 s31, $0x0;
	[sflag:s17] =	ssyncset.done $0x0  }
0x1c: {  	s0 =	simm.s32 @!p0 $0x5;
	[sflag:s17] =	ssyncadd.s32 $0xFFFFE700  }
0x1d: {  	_ =	swait.ge @!p0 [sflag:s0], $0x1900  }
0x1e: {  	[sflag:s0] =	ssyncset.done @!p0 $0x0  }
0x1f: {  	[sflag:s0] =	ssyncadd.s32 @!p0 $0xFFFFE700;
	s0 =	simm.s32 $0xB0  }
0x20: {  	v3 =	vld [tilespmem:s0+$0x10000]  }
0x21: {  	v4 =	vld [tilespmem:s0+$0xFF50]  }
0x22: {  	v5 =	vld [tilespmem:s0+$0xFF60]  }
0x23: {  	v2 =	vld [tilespmem:s0+$0xFF70]  }
0x24: {  	v0 =	vld [tilespmem:s0+$0xFF80]  }
0x25: {  	v1 =	vld [tilespmem:s0+$0xFFD0];
	[tilespmem:s0+$0x17000] =	vst v3  }
0x26: {  	[tilespmem:s0+$0x16F50] =	vst v4;
	v3 =	vld [tilespmem:s0+$0xFFE0]  }
0x27: {  	s1 =	sshll.u32 s31, $0x2;
	s11 =	simm.s32 $0x1B0;
	s13 =	simm.s32 $0xAC0;
	[tilespmem:s0+$0x16F60] =	vst v5;
	v4 =	vld [tilespmem:s0+$0xFFF0]  }
.LBB2_3:
0x28: {  	p1 =	sne.s32 s13, $0x62C0;
	v5 =	vld [tilespmem:s11+$0x10000];
	[tilespmem:s0+$0x16F70] =	vst v2  }
0x29: {  	v6 =	vld [tilespmem:s11+$0xFF50];
	[tilespmem:s0+$0x16F80] =	vst v0  }
0x2a: {  	v7 =	vld [tilespmem:s11+$0xFF60];
	[tilespmem:s0+$0x16FD0] =	vst v1  }
.Ltmp0:
0x2b: {  	v2 =	vld [tilespmem:s11+$0xFF70];
	[tilespmem:s0+$0x16FE0] =	vst v3;
	(pc) =	sbr.rel @p1 .LBB2_3-.Ltmp0, $4  }
0x2c: {  	v0 =	vld [tilespmem:s11+$0xFF80];
	[tilespmem:s0+$0x16FF0] =	vst v4;
	s0 =	smov.u32 s11  }
0x2d: {  	v1 =	vld [tilespmem:s0+$0xFFD0];
	[tilespmem:s0+$0x17000] =	vst v5  }
0x2e: {  	[tilespmem:s0+$0x16F50] =	vst v6;
	v3 =	vld [tilespmem:s0+$0xFFE0]  }
0x2f: {  	s11 =	sshra.s32 s13, $0x2;
	s13 =	sadd.s32 $0x400, s13;
	[tilespmem:s0+$0x16F60] =	vst v7;
	v4 =	vld [tilespmem:s0+$0xFFF0]  }
0x30: {  	v5 =	vld [tilespmem:s11+$0x10000];
	[tilespmem:s0+$0x16F70] =	vst v2  }
0x31: {  	v2 =	vld [tilespmem:s11+$0xFF50];
	[tilespmem:s0+$0x16F80] =	vst v0  }
0x32: {  	v0 =	vld [tilespmem:s11+$0xFF60];
	[tilespmem:s0+$0x16FD0] =	vst v1  }
0x33: {  	v1 =	vld [tilespmem:s11+$0xFF70];
	[tilespmem:s0+$0x16FE0] =	vst v3  }
0x34: {  	v3 =	vld [tilespmem:s11+$0xFF80];
	[tilespmem:s0+$0x16FF0] =	vst v4  }
0x35: {  	v4 =	vld [tilespmem:s11+$0xFFD0];
	[tilespmem:s11+$0x17000] =	vst v5  }
0x36: {  	v62 =	vld [tilespmem:s11+$0xFFE0];
	[tilespmem:s11+$0x16F50] =	vst v2  }
0x37: {  	v63 =	vld [tilespmem:s11+$0xFFF0];
	[tilespmem:s11+$0x16F60] =	vst v0  }
0x38: {  	p1 =	sne.s32 s31, $0x7F;
	[tilespmem:s11+$0x16F70] =	vst v1  }
.Ltmp1:
0x39: {  	s15 =	sadd.s32 s4, s1;
	[tilespmem:s11+$0x16F80] =	vst v3;
	(pc) =	sbr.rel @p1 .LBB2_6-.Ltmp1, $4  }
0x3a: {  	s0 =	smul.u32 $0x380, s15;
	[tilespmem:s11+$0x16FD0] =	vst v4  }
0x3b: {  	[tilespmem:s11+$0x16FE0] =	vst v62  }
0x3c: {  	s0 =	sadd.s32 s5, s0;
	[tilespmem:s11+$0x16FF0] =	vst v63  }
0x3d: {  	[hbm4b:s0+s2] =	stream.linear.scatter [tilespmem:s18], [sflag:$0x5], $0x1900, $0x38;
	[tilespmem:$0x1E000] =	vst v63  }
.Ltmp2:
0x3e: {  	(pc) =	sbr.rel .LBB2_7-.Ltmp2, $4  }
0x3f: {  	_ = 	snop  }
0x40: {  	_ =	swait.ge [sflag:s19], $0x1900  }
0x41: {  	[sflag:s19] =	ssyncset.done $0x0  }
0x42: {  	[sflag:s19] =	ssyncadd.s32 $0xFFFFE700  }
.LBB2_6:
0x43: {  	s0 =	sshll.u32 s31, $0x9  }
0x44: {  	s0 =	sand.u32 $0x3FFFFE00, s0  }
.Ltmp3:
0x45: {  	s0 =	sadd.s32 $0x200, s0;
	(pc) =	sbr.rel @p0 .LBB2_8-.Ltmp3, $4  }
0x46: {  	[tilespmem:s10], [sflag:$0x1] =	stream.indirect.gather [hbm4b:s3+s9], $0x80, s0, s9, $0xb8;
	[tilespmem:$0x1E000] =	vst v63  }
0x47: {  	_ =	swait.ge [sflag:s19], $0x1900  }
0x48: {  	[sflag:s19] =	ssyncset.done $0x0  }
0x49: {  	[sflag:s19] =	ssyncadd.s32 $0xFFFFE700  }
.LBB2_7:
0x4a: {  	_ =	swait.ge [sflag:s20], $0x1900  }
0x4b: {  	[sflag:s20] =	ssyncset.done $0x0  }
0x4c: {  	[sflag:s20] =	ssyncadd.s32 $0xFFFFE700  }
.LBB2_8:
0x4d: {  	s11 =	simm.s32 $0x0  }
0x4e: {  	v3 =	vld [tilespmem:s11+$0x11CB0]  }
0x4f: {  	v4 =	vld [tilespmem:s11+$0x11C00]  }
0x50: {  	v5 =	vld [tilespmem:s11+$0x11C10]  }
0x51: {  	v2 =	vld [tilespmem:s11+$0x11C20]  }
0x52: {  	v0 =	vld [tilespmem:s11+$0x11C30]  }
0x53: {  	v1 =	vld [tilespmem:s11+$0x11C80];
	[tilespmem:s11+$0x18CB0] =	vst v3  }
0x54: {  	[tilespmem:s11+$0x18C00] =	vst v4;
	v3 =	vld [tilespmem:s11+$0x11C90]  }
0x55: {  	s0 =	sadd.s32 $0x1, s31;
	s13 =	simm.s32 $0x100;
	s15 =	simm.s32 $0x800;
	[tilespmem:s11+$0x18C10] =	vst v5;
	v4 =	vld [tilespmem:s11+$0x11CA0]  }
.LBB2_9:
0x56: {  	p2 =	sne.s32 s15, $0x6000;
	v5 =	vld [tilespmem:s13+$0x11CB0];
	[tilespmem:s11+$0x18C20] =	vst v2  }
0x57: {  	v6 =	vld [tilespmem:s13+$0x11C00];
	[tilespmem:s11+$0x18C30] =	vst v0  }
0x58: {  	v7 =	vld [tilespmem:s13+$0x11C10];
	[tilespmem:s11+$0x18C80] =	vst v1  }
.Ltmp4:
0x59: {  	v2 =	vld [tilespmem:s13+$0x11C20];
	[tilespmem:s11+$0x18C90] =	vst v3;
	(pc) =	sbr.rel @p2 .LBB2_9-.Ltmp4, $4  }
0x5a: {  	v0 =	vld [tilespmem:s13+$0x11C30];
	[tilespmem:s11+$0x18CA0] =	vst v4;
	s11 =	smov.u32 s13  }
0x5b: {  	v1 =	vld [tilespmem:s11+$0x11C80];
	[tilespmem:s11+$0x18CB0] =	vst v5  }
0x5c: {  	[tilespmem:s11+$0x18C00] =	vst v6;
	v3 =	vld [tilespmem:s11+$0x11C90]  }
0x5d: {  	s13 =	sshra.s32 s15, $0x2;
	s15 =	sadd.s32 $0x400, s15;
	[tilespmem:s11+$0x18C10] =	vst v7;
	v4 =	vld [tilespmem:s11+$0x11CA0]  }
0x5e: {  	v5 =	vld [tilespmem:s13+$0x11CB0];
	[tilespmem:s11+$0x18C20] =	vst v2  }
0x5f: {  	v2 =	vld [tilespmem:s13+$0x11C00];
	[tilespmem:s11+$0x18C30] =	vst v0  }
0x60: {  	v0 =	vld [tilespmem:s13+$0x11C10];
	[tilespmem:s11+$0x18C80] =	vst v1  }
0x61: {  	v1 =	vld [tilespmem:s13+$0x11C20];
	[tilespmem:s11+$0x18C90] =	vst v3  }
0x62: {  	v3 =	vld [tilespmem:s13+$0x11C30];
	[tilespmem:s11+$0x18CA0] =	vst v4  }
0x63: {  	v4 =	vld [tilespmem:s13+$0x11C80];
	[tilespmem:s13+$0x18CB0] =	vst v5  }
0x64: {  	v62 =	vld [tilespmem:s13+$0x11C90];
	[tilespmem:s13+$0x18C00] =	vst v2  }
0x65: {  	s1 =	sadd.s32 s1, s4;
	v63 =	vld [tilespmem:s13+$0x11CA0];
	[tilespmem:s13+$0x18C10] =	vst v0  }
0x66: {  	s1 =	smul.u32 $0x380, s1;
	[tilespmem:s13+$0x18C20] =	vst v1  }
.Ltmp5:
0x67: {  	[tilespmem:s13+$0x18C30] =	vst v3;
	(pc) =	sbr.rel @p1 .LBB2_12-.Ltmp5, $4  }
0x68: {  	[tilespmem:s13+$0x18C80] =	vst v4  }
0x69: {  	s1 =	sadd.s32 s5, s1;
	[tilespmem:s13+$0x18C90] =	vst v62  }
0x6a: {  	s15 =	sadd.s32 $0x380, s1;
	[tilespmem:s13+$0x18CA0] =	vst v63  }
0x6b: {  	[hbm4b:s15+s2] =	stream.linear.scatter [tilespmem:s21], [sflag:$0x6], $0x1900, $0x38;
	[tilespmem:$0x1E000] =	vst v63  }
.Ltmp6:
0x6c: {  	(pc) =	sbr.rel .LBB2_13-.Ltmp6, $4  }
0x6d: {  	_ = 	snop  }
0x6e: {  	_ =	swait.ge [sflag:s22], $0x1900  }
0x6f: {  	[sflag:s22] =	ssyncset.done $0x0  }
0x70: {  	[sflag:s22] =	ssyncadd.s32 $0xFFFFE700  }
.LBB2_12:
0x71: {  	s11 =	sshll.u32 s31, $0x9  }
0x72: {  	s11 =	sand.u32 $0x3FFFFE00, s11  }
.Ltmp7:
0x73: {  	s11 =	sadd.s32 $0x280, s11;
	(pc) =	sbr.rel @p0 .LBB2_14-.Ltmp7, $4  }
0x74: {  	[tilespmem:s12], [sflag:$0x2] =	stream.indirect.gather [hbm4b:s3+s9], $0x80, s11, s9, $0xb8;
	[tilespmem:$0x1E000] =	vst v63  }
0x75: {  	_ =	swait.ge [sflag:s22], $0x1900  }
0x76: {  	[sflag:s22] =	ssyncset.done $0x0  }
0x77: {  	[sflag:s22] =	ssyncadd.s32 $0xFFFFE700  }
.LBB2_13:
0x78: {  	_ =	swait.ge [sflag:s23], $0x1900  }
0x79: {  	[sflag:s23] =	ssyncset.done $0x0  }
0x7a: {  	[sflag:s23] =	ssyncadd.s32 $0xFFFFE700  }
.LBB2_14:
0x7b: {  	s11 =	simm.s32 $0x0  }
0x7c: {  	v3 =	vld [tilespmem:s11+$0x138B0]  }
0x7d: {  	v4 =	vld [tilespmem:s11+$0x13800]  }
0x7e: {  	v5 =	vld [tilespmem:s11+$0x13810]  }
0x7f: {  	v2 =	vld [tilespmem:s11+$0x13820]  }
0x80: {  	v0 =	vld [tilespmem:s11+$0x13830]  }
0x81: {  	v1 =	vld [tilespmem:s11+$0x13880];
	[tilespmem:s11+$0x1A8B0] =	vst v3  }
0x82: {  	[tilespmem:s11+$0x1A800] =	vst v4;
	v3 =	vld [tilespmem:s11+$0x13890]  }
0x83: {  	s13 =	simm.s32 $0x100;
	s15 =	simm.s32 $0x800;
	[tilespmem:s11+$0x1A810] =	vst v5;
	v4 =	vld [tilespmem:s11+$0x138A0]  }
.LBB2_15:
0x84: {  	p2 =	sne.s32 s15, $0x6000;
	v5 =	vld [tilespmem:s13+$0x138B0];
	[tilespmem:s11+$0x1A820] =	vst v2  }
0x85: {  	v6 =	vld [tilespmem:s13+$0x13800];
	[tilespmem:s11+$0x1A830] =	vst v0  }
0x86: {  	v7 =	vld [tilespmem:s13+$0x13810];
	[tilespmem:s11+$0x1A880] =	vst v1  }
.Ltmp8:
0x87: {  	v2 =	vld [tilespmem:s13+$0x13820];
	[tilespmem:s11+$0x1A890] =	vst v3;
	(pc) =	sbr.rel @p2 .LBB2_15-.Ltmp8, $4  }
0x88: {  	v0 =	vld [tilespmem:s13+$0x13830];
	[tilespmem:s11+$0x1A8A0] =	vst v4;
	s11 =	smov.u32 s13  }
0x89: {  	v1 =	vld [tilespmem:s11+$0x13880];
	[tilespmem:s11+$0x1A8B0] =	vst v5  }
0x8a: {  	[tilespmem:s11+$0x1A800] =	vst v6;
	v3 =	vld [tilespmem:s11+$0x13890]  }
0x8b: {  	s13 =	sshra.s32 s15, $0x2;
	s15 =	sadd.s32 $0x400, s15;
	[tilespmem:s11+$0x1A810] =	vst v7;
	v4 =	vld [tilespmem:s11+$0x138A0]  }
0x8c: {  	v5 =	vld [tilespmem:s13+$0x138B0];
	[tilespmem:s11+$0x1A820] =	vst v2  }
0x8d: {  	v2 =	vld [tilespmem:s13+$0x13800];
	[tilespmem:s11+$0x1A830] =	vst v0  }
0x8e: {  	v0 =	vld [tilespmem:s13+$0x13810];
	[tilespmem:s11+$0x1A880] =	vst v1  }
0x8f: {  	v1 =	vld [tilespmem:s13+$0x13820];
	[tilespmem:s11+$0x1A890] =	vst v3  }
0x90: {  	v3 =	vld [tilespmem:s13+$0x13830];
	[tilespmem:s11+$0x1A8A0] =	vst v4  }
0x91: {  	v4 =	vld [tilespmem:s13+$0x13880];
	[tilespmem:s13+$0x1A8B0] =	vst v5  }
0x92: {  	v62 =	vld [tilespmem:s13+$0x13890];
	[tilespmem:s13+$0x1A800] =	vst v2  }
0x93: {  	v63 =	vld [tilespmem:s13+$0x138A0];
	[tilespmem:s13+$0x1A810] =	vst v0  }
0x94: {  	[tilespmem:s13+$0x1A820] =	vst v1  }
.Ltmp9:
0x95: {  	[tilespmem:s13+$0x1A830] =	vst v3;
	(pc) =	sbr.rel @p1 .LBB2_18-.Ltmp9, $4  }
0x96: {  	[tilespmem:s13+$0x1A880] =	vst v4  }
0x97: {  	[tilespmem:s13+$0x1A890] =	vst v62  }
0x98: {  	s15 =	sadd.s32 $0x700, s1;
	[tilespmem:s13+$0x1A8A0] =	vst v63  }
0x99: {  	[hbm4b:s15+s2] =	stream.linear.scatter [tilespmem:s24], [sflag:$0x7], $0x1900, $0x38;
	[tilespmem:$0x1E000] =	vst v63  }
.Ltmp10:
0x9a: {  	(pc) =	sbr.rel .LBB2_19-.Ltmp10, $4  }
0x9b: {  	_ = 	snop  }
0x9c: {  	_ =	swait.ge [sflag:s25], $0x1900  }
0x9d: {  	[sflag:s25] =	ssyncset.done $0x0  }
0x9e: {  	[sflag:s25] =	ssyncadd.s32 $0xFFFFE700  }
.LBB2_18:
0x9f: {  	s11 =	sshll.u32 s31, $0x9  }
0xa0: {  	s11 =	sand.u32 $0x3FFFFE00, s11  }
.Ltmp11:
0xa1: {  	s11 =	sadd.s32 $0x300, s11;
	(pc) =	sbr.rel @p0 .LBB2_20-.Ltmp11, $4  }
0xa2: {  	[tilespmem:s14], [sflag:$0x3] =	stream.indirect.gather [hbm4b:s3+s9], $0x80, s11, s9, $0xb8;
	[tilespmem:$0x1E000] =	vst v63  }
0xa3: {  	_ =	swait.ge [sflag:s25], $0x1900  }
0xa4: {  	[sflag:s25] =	ssyncset.done $0x0  }
0xa5: {  	[sflag:s25] =	ssyncadd.s32 $0xFFFFE700  }
.LBB2_19:
0xa6: {  	_ =	swait.ge [sflag:s26], $0x1900  }
0xa7: {  	[sflag:s26] =	ssyncset.done $0x0  }
0xa8: {  	[sflag:s26] =	ssyncadd.s32 $0xFFFFE700  }
.LBB2_20:
0xa9: {  	s11 =	simm.s32 $0x0  }
0xaa: {  	v3 =	vld [tilespmem:s11+$0x154B0]  }
0xab: {  	v4 =	vld [tilespmem:s11+$0x15400]  }
0xac: {  	v5 =	vld [tilespmem:s11+$0x15410]  }
0xad: {  	v2 =	vld [tilespmem:s11+$0x15420]  }
0xae: {  	v0 =	vld [tilespmem:s11+$0x15430]  }
0xaf: {  	v1 =	vld [tilespmem:s11+$0x15480];
	[tilespmem:s11+$0x1C4B0] =	vst v3  }
0xb0: {  	[tilespmem:s11+$0x1C400] =	vst v4;
	v3 =	vld [tilespmem:s11+$0x15490]  }
0xb1: {  	s13 =	simm.s32 $0x100;
	s15 =	simm.s32 $0x800;
	[tilespmem:s11+$0x1C410] =	vst v5;
	v4 =	vld [tilespmem:s11+$0x154A0]  }
.LBB2_21:
0xb2: {  	p0 =	sne.s32 s15, $0x6000;
	v5 =	vld [tilespmem:s13+$0x154B0];
	[tilespmem:s11+$0x1C420] =	vst v2  }
0xb3: {  	v6 =	vld [tilespmem:s13+$0x15400];
	[tilespmem:s11+$0x1C430] =	vst v0  }
0xb4: {  	v7 =	vld [tilespmem:s13+$0x15410];
	[tilespmem:s11+$0x1C480] =	vst v1  }
.Ltmp12:
0xb5: {  	v2 =	vld [tilespmem:s13+$0x15420];
	[tilespmem:s11+$0x1C490] =	vst v3;
	(pc) =	sbr.rel @p0 .LBB2_21-.Ltmp12, $4  }
0xb6: {  	v0 =	vld [tilespmem:s13+$0x15430];
	[tilespmem:s11+$0x1C4A0] =	vst v4;
	s11 =	smov.u32 s13  }
0xb7: {  	v1 =	vld [tilespmem:s11+$0x15480];
	[tilespmem:s11+$0x1C4B0] =	vst v5  }
0xb8: {  	[tilespmem:s11+$0x1C400] =	vst v6;
	v3 =	vld [tilespmem:s11+$0x15490]  }
0xb9: {  	s13 =	sshra.s32 s15, $0x2;
	s15 =	sadd.s32 $0x400, s15;
	[tilespmem:s11+$0x1C410] =	vst v7;
	v4 =	vld [tilespmem:s11+$0x154A0]  }
0xba: {  	v5 =	vld [tilespmem:s13+$0x154B0];
	[tilespmem:s11+$0x1C420] =	vst v2  }
0xbb: {  	v2 =	vld [tilespmem:s13+$0x15400];
	[tilespmem:s11+$0x1C430] =	vst v0  }
0xbc: {  	v0 =	vld [tilespmem:s13+$0x15410];
	[tilespmem:s11+$0x1C480] =	vst v1  }
0xbd: {  	v1 =	vld [tilespmem:s13+$0x15420];
	[tilespmem:s11+$0x1C490] =	vst v3  }
0xbe: {  	v3 =	vld [tilespmem:s13+$0x15430];
	[tilespmem:s11+$0x1C4A0] =	vst v4  }
0xbf: {  	v4 =	vld [tilespmem:s13+$0x15480];
	[tilespmem:s13+$0x1C4B0] =	vst v5  }
0xc0: {  	v62 =	vld [tilespmem:s13+$0x15490];
	[tilespmem:s13+$0x1C400] =	vst v2  }
0xc1: {  	v63 =	vld [tilespmem:s13+$0x154A0];
	[tilespmem:s13+$0x1C410] =	vst v0  }
0xc2: {  	[tilespmem:s13+$0x1C420] =	vst v1  }
0xc3: {  	[tilespmem:s13+$0x1C430] =	vst v3  }
0xc4: {  	[tilespmem:s13+$0x1C480] =	vst v4  }
0xc5: {  	[tilespmem:s13+$0x1C490] =	vst v62  }
0xc6: {  	p0 =	seq.s32 s31, $0x7F;
	s1 =	sadd.s32 $0xA80, s1;
	[tilespmem:s13+$0x1C4A0] =	vst v63  }
0xc7: {  	[hbm4b:s1+s2] =	stream.linear.scatter [tilespmem:s28], [sflag:$0x8], $0x1900, $0x38;
	[tilespmem:$0x1E000] =	vst v63  }
0xc8: {  	s1 =	sshll.u32 @!p0 s31, $0x9  }
0xc9: {  	p1 =	sne.s32 @!p0 s0, $0x80;
	s1 =	sand.u32 @!p0 $0x3FFFFE00, s1  }
0xca: {  	s11 =	simm.s32 @!p0 $0x32;
	s13 =	simm.s32 @!p0 $0x15400;
	s1 =	sadd.s32 @!p0 $0x380, s1  }
0xcb: {  	[tilespmem:s13], [sflag:$0x4] =	stream.indirect.gather @!p0 [hbm4b:s3+s11], $0x80, s1, s11, $0xb8;
	[tilespmem:$0x1E000] =	vst v63  }
0xcc: {  	p0 =	por p0, !p1  }
.Ltmp13:
0xcd: {  	_ = 	snop;
	(pc) =	sbr.rel @!p0 .LBB2_2-.Ltmp13, $2  }
0xce: {  	_ =	sdelay $0x2  }
0xcf: {  	s31 =	smov.u32 s0  }
0xd0: {  	_ =	swait.ge [sflag:s29], $0x1900  }
0xd1: {  	[sflag:s29] =	ssyncset.done $0x0  }
0xd2: {  	[sflag:s29] =	ssyncadd.s32 $0xFFFFE700  }
0xd3: {  	_ =	swait.ge [sflag:s20], $0x1900  }
0xd4: {  	[sflag:s20] =	ssyncset.done $0x0  }
0xd5: {  	s30 =	sadd.s32 $0x1, s30;
	[sflag:s20] =	ssyncadd.s32 $0xFFFFE700  }
0xd6: {  	p0 =	sne.s32 s30, s7;
	_ =	swait.ge [sflag:s23], $0x1900  }
.Ltmp14:
0xd7: {  	[sflag:s23] =	ssyncset.done $0x0;
	(pc) =	sbr.rel @p0 .LBB2_1-.Ltmp14, $4  }
0xd8: {  	[sflag:s23] =	ssyncadd.s32 $0xFFFFE700  }
0xd9: {  	_ =	swait.ge [sflag:s26], $0x1900  }
0xda: {  	[sflag:s26] =	ssyncset.done $0x0  }
0xdb: {  	[sflag:s26] =	ssyncadd.s32 $0xFFFFE700  }
0xdc: {  	_ =	sfence.sel $0x180000  }
0xdd: {  	[bflag:$0x0] =	sbarrier.arrive $0xFFFF  }
0xde: {  	_ =	strace $0x90000047  }
0xdf: {  	s0 =	stileid.u32;
	[bflag:$0x2] =	sbarrier.arrive $0xFFFF  }
0xe0: {  	p0 =	sne.s32 s0, $0x0;
	s0 =	rddreg [dreg:$0x2]  }
0xe1: {  	s0 =	sadd.s32 @!p0 $0x100000, s0  }
0xe2: {  	[sflag:s0] =	ssyncadd.tile.s32 @!p0 $0x1;
	_ =	shalt  }
.Lfunc_end2:
_tile_overlayer_lowered:
.L_overlay_start_2:
0xe3: {  	(tag) =	ssettag $0x2  }
0xe4: {  	s0 =	rddreg [dreg:$0x0];
	s2 =	stileid.u32  }
0xe5: {  	s1 =	rddreg [dreg:$0x1];
	p0 =	sne.s32 s2, $0x0  }
0xe6: {  	s3 =	rddreg [dreg:$0x2];
	[bflag:$0x3] =	sbarrier.arrive $0xFFFF;
	s2 =	simm.s32 @!p0 $0x1C09  }
0xe7: {  	[timem:s3], [sflag:s2] =	dma.local @!p0 [hbm:s0], s1  }
0xe8: {  	s0 =	simm.s32 @!p0 $0x9  }
0xe9: {  	_ =	swait.ge @!p0 [sflag:s0], s1  }
0xea: {  	s1 =	ssub.s32 @!p0 $0x0, s1;
	[sflag:s0] =	ssyncset.done @!p0 $0x0  }
0xeb: {  	[sflag:s0] =	ssyncadd.s32 @!p0 s1  }
0xec: {  	[bflag:$0x3] =	sbarrier.arrive $0xFFFF  }
0xed: {  	_ =	shalt  }

</sc_bundles>
